<compile_context>
chip_gen: v7x
topology: tpu7x:2x2x1
jax: 0.10.2.dev20260603
libtpu: 0.0.44.dev20260713+nightly
codegen_flags: <defaults>
</compile_context>

<pallas_src>
import functools

import jax
import jax.numpy as jnp
from jax import lax
from jax.experimental import pallas as pl
from jax.experimental.pallas import tpu as pltpu
from jax.experimental.pallas import tpu_sc as plsc


def kernel(x, perm):
    B, S, F = x.shape
    info = plsc.get_sparse_core_info()
    NC, NS, L = info.num_cores, info.num_subcores, info.num_lanes
    NW = NC * NS
    R = B * S
    rows_per_w = R // NW
    w_per_b = S // rows_per_w
    BLK = 8
    NBUF = 3
    n_blocks = rows_per_w // BLK
    n_iters = -(-n_blocks // NBUF)

    mesh = plsc.VectorSubcoreMesh(core_axis_name="c", subcore_axis_name="s")

    @functools.partial(
        pl.kernel,
        mesh=mesh,
        out_type=jax.ShapeDtypeStruct((B, S, F), jnp.float32),
        scratch_types=[
            pltpu.VMEM((F,), jnp.int32),
            *(pltpu.VMEM((BLK, F), jnp.float32),) * NBUF,
            *(pltpu.VMEM((BLK, F), jnp.float32),) * NBUF,
            *(pltpu.SemaphoreType.DMA,) * (2 * NBUF),
        ],
        compiler_params=pltpu.CompilerParams(needs_layout_passes=False),
    )
    def run(x_hbm, perm_hbm, out_hbm, idx_v, *bufs):
        ins = bufs[:NBUF]
        outs = bufs[NBUF:2 * NBUF]
        isems = bufs[2 * NBUF:3 * NBUF]
        osems = bufs[3 * NBUF:]
        wid = lax.axis_index("s") * NC + lax.axis_index("c")
        bidx = wid // w_per_b
        row0 = (wid % w_per_b) * rows_per_w

        def in_copy(b, ph):
            return pltpu.make_async_copy(
                x_hbm.at[bidx, pl.ds(row0 + b * BLK, BLK)],
                ins[ph], isems[ph])

        def out_copy(b, ph):
            return pltpu.make_async_copy(
                outs[ph], out_hbm.at[bidx, pl.ds(row0 + b * BLK, BLK)],
                osems[ph])

        pltpu.sync_copy(perm_hbm, idx_v)
        for ph in range(NBUF):
            in_copy(ph, ph).start()
        rows = [jnp.full((L,), r, jnp.int32) for r in range(BLK)]

        def grp_body(bb, carry):
            for ph in range(NBUF):
                b = bb * NBUF + ph

                @pl.when(jnp.logical_and(b >= NBUF, b < n_blocks))
                def _():
                    out_copy(b - NBUF, ph).wait()

                @pl.when(b < n_blocks)
                def _():
                    in_copy(b, ph).wait()
                    in_v, out_v = ins[ph], outs[ph]

                    @plsc.parallel_loop(0, F // L, unroll=4)
                    def _(g):
                        idx = idx_v[pl.ds(g * L, L)]
                        for r in range(BLK):
                            vals = plsc.load_gather(in_v, [rows[r], idx])
                            out_v[r, pl.ds(g * L, L)] = vals

                    out_copy(b, ph).start()

                @pl.when(b + NBUF < n_blocks)
                def _():
                    in_copy(b + NBUF, ph).start()
            return carry

        lax.fori_loop(0, n_iters, grp_body, 0)
        for b in range(n_blocks - NBUF, n_blocks):
            out_copy(b, b % NBUF).wait()

    return run(x, perm)

# --- scband reference (transcript-rebuilt; emitter-appended) ---
"""Pipeline reference for scband-permutation-42812234006637 (READ-ONLY COPY).

The authoritative reference and input builder live on the scoring server;
editing this copy changes nothing except your own understanding.
"""

import jax, jax.numpy as jnp
import numpy as np


def setup_inputs(seed: int = 0) -> dict:
    key = jax.random.key(seed)
    x = jax.random.normal(key, (4, 4096, 2048), dtype=jnp.float32)
    # Permutation is a non-trainable 'built' parameter derived from seed=42,
    # mirroring build() in the Keras layer (np.random.seed(seed); np.random.permutation(dim)).
    np.random.seed(42)
    perm = jnp.asarray(np.random.permutation(2048), dtype=jnp.int32)
    return {"x": x, "perm": perm}


def reference(x, perm):
    # tf.gather(inputs, permutation, axis=-1)
    return jnp.take(x, perm, axis=-1)

if __name__ == "__main__":
    import jax
    _d = setup_inputs()
    print(jax.jit(kernel)(*tuple(_d.values())))

</pallas_src>

<mosaic_0001>
#map = affine_map<(d0, d1) -> (0, 0, 0)>
#map1 = affine_map<(d0, d1) -> (0)>
module attributes {stable_mosaic.version = 14 : i64} {
  func.func @run(%arg0: i32, %arg1: i32, %arg2: memref<4x4096x2048xf32, #tpu.memory_space<hbm>>, %arg3: memref<2048xi32, #tpu.memory_space<hbm>>, %arg4: memref<4x4096x2048xf32, #tpu.memory_space<hbm>>, %arg5: memref<2048xi32, #tpu.memory_space<vmem>>, %arg6: memref<8x2048xf32, #tpu.memory_space<vmem>>, %arg7: memref<8x2048xf32, #tpu.memory_space<vmem>>, %arg8: memref<8x2048xf32, #tpu.memory_space<vmem>>, %arg9: memref<8x2048xf32, #tpu.memory_space<vmem>>, %arg10: memref<8x2048xf32, #tpu.memory_space<vmem>>, %arg11: memref<8x2048xf32, #tpu.memory_space<vmem>>, %arg12: memref<!tpu.dma_semaphore, #tpu.memory_space<semaphore_mem>>, %arg13: memref<!tpu.dma_semaphore, #tpu.memory_space<semaphore_mem>>, %arg14: memref<!tpu.dma_semaphore, #tpu.memory_space<semaphore_mem>>, %arg15: memref<!tpu.dma_semaphore, #tpu.memory_space<semaphore_mem>>, %arg16: memref<!tpu.dma_semaphore, #tpu.memory_space<semaphore_mem>>, %arg17: memref<!tpu.dma_semaphore, #tpu.memory_space<semaphore_mem>>) attributes {dimension_semantics = [#tpu.dimension_semantics<core_parallel>, #tpu.dimension_semantics<subcore_parallel>], iteration_bounds = array<i64: 2, 16>, scalar_prefetch = 0 : i64, scratch_operands = 13 : i64, tpu.core_type = #tpu.core_type<sc_vector_subcore>, window_params = [{transform_indices = #map}, {transform_indices = #map1}, {transform_indices = #map}]} {
    %mul3A = arith.constant 2 : i32
    %mul3A_0 = arith.muli %arg1, %mul3A : i32
    %add3A = arith.addi %mul3A_0, %arg0 : i32
    %jit3A = arith.constant 8 : i32
    %div3A = arith.divsi %add3A, %jit3A : i32
    %sign3A = arith.constant 0 : i32
    %sign3A_1 = arith.cmpi sgt, %add3A, %sign3A : i32
    %sign3A_2 = arith.extui %sign3A_1 : i1 to i32
    %sign3A_3 = arith.constant 0 : i32
    %sign3A_4 = arith.cmpi slt, %add3A, %sign3A_3 : i32
    %sign3A_5 = arith.extui %sign3A_4 : i1 to i32
    %sign3A_6 = arith.subi %sign3A_2, %sign3A_5 : i32
    %sign3A_7 = arith.constant 0 : i32
    %sign3A_8 = arith.cmpi sgt, %jit3A, %sign3A_7 : i32
    %sign3A_9 = arith.extui %sign3A_8 : i1 to i32
    %sign3A_10 = arith.constant 0 : i32
    %sign3A_11 = arith.cmpi slt, %jit3A, %sign3A_10 : i32
    %sign3A_12 = arith.extui %sign3A_11 : i1 to i32
    %sign3A_13 = arith.subi %sign3A_9, %sign3A_12 : i32
    %ne3A = arith.cmpi ne, %sign3A_6, %sign3A_13 : i32
    %rem3A = arith.remsi %add3A, %jit3A : i32
    %ne3A_14 = arith.constant 0 : i32
    %ne3A_15 = arith.cmpi ne, %rem3A, %ne3A_14 : i32
    %and3A = arith.andi %ne3A, %ne3A_15 : i1
    %sub3A = arith.constant 1 : i32
    %sub3A_16 = arith.subi %div3A, %sub3A : i32
    %select_n3A = arith.select %and3A, %sub3A_16, %div3A : i32
    %jit3A_17 = arith.constant 8 : i32
    %eq3A = arith.constant 0 : i32
    %eq3A_18 = arith.cmpi eq, %jit3A_17, %eq3A : i32
    %jit3A_19 = arith.constant 1 : i32
    %select_n3A_20 = arith.select %eq3A_18, %jit3A_19, %jit3A_17 : i32
    %rem3A_21 = arith.remsi %add3A, %select_n3A_20 : i32
    %ne3A_22 = arith.constant 0 : i32
    %ne3A_23 = arith.cmpi ne, %rem3A_21, %ne3A_22 : i32
    %lt3A = arith.constant 0 : i32
    %lt3A_24 = arith.cmpi slt, %rem3A_21, %lt3A : i32
    %lt3A_25 = arith.constant 0 : i32
    %lt3A_26 = arith.cmpi slt, %select_n3A_20, %lt3A_25 : i32
    %ne3A_27 = arith.xori %lt3A_24, %lt3A_26 : i1
    %and3A_28 = arith.andi %ne3A_27, %ne3A_23 : i1
    %add3A_29 = arith.addi %rem3A_21, %select_n3A_20 : i32
    %select_n3A_30 = arith.select %and3A_28, %add3A_29, %rem3A_21 : i32
    %mul3A_31 = arith.constant 512 : i32
    %mul3A_32 = arith.muli %select_n3A_30, %mul3A_31 : i32
    "tpu.region"() ({
      %run_scoped3A = tpu.sem_alloc : memref<!tpu.dma_semaphore, #tpu.memory_space<semaphore_mem>>
      tpu.enqueue_dma source(%arg3 : memref<2048xi32, #tpu.memory_space<hbm>>) target(%arg5 : memref<2048xi32, #tpu.memory_space<vmem>>) target_semaphore(%run_scoped3A : memref<!tpu.dma_semaphore, #tpu.memory_space<semaphore_mem>>)
      tpu.wait_dma2 semaphore(%run_scoped3A : memref<!tpu.dma_semaphore, #tpu.memory_space<semaphore_mem>>) src(%arg3 : memref<2048xi32, #tpu.memory_space<hbm>>) dst(%arg5 : memref<2048xi32, #tpu.memory_space<vmem>>)
      tpu.yield
    }) : () -> ()
    %add3A_33 = arith.constant 0 : i32
    %add3A_34 = arith.addi %mul3A_32, %add3A_33 : i32
    %dma_start3A = arith.constant 0 : i32
    %dma_start3A_35 = tpu.memref_slice %arg2[%select_n3A, %add3A_34, %dma_start3A] : memref<4x4096x2048xf32, #tpu.memory_space<hbm>> -> memref<1x8x2048xf32, #tpu.memory_space<hbm>>
    %dma_start3A_36 = tpu.memref_squeeze %dma_start3A_35 : memref<1x8x2048xf32, #tpu.memory_space<hbm>> -> memref<8x2048xf32, #tpu.memory_space<hbm>>
    %dma_start3A_37 = arith.constant 0 : i32
    %dma_start3A_38 = tpu.memref_slice %arg2[%select_n3A, %add3A_34, %dma_start3A_37] : memref<4x4096x2048xf32, #tpu.memory_space<hbm>> -> memref<1x8x2048xf32, #tpu.memory_space<hbm>>
    %dma_start3A_39 = tpu.memref_squeeze %dma_start3A_38 : memref<1x8x2048xf32, #tpu.memory_space<hbm>> -> memref<8x2048xf32, #tpu.memory_space<hbm>>
    tpu.enqueue_dma source(%dma_start3A_39 : memref<8x2048xf32, #tpu.memory_space<hbm>>) target(%arg6 : memref<8x2048xf32, #tpu.memory_space<vmem>>) target_semaphore(%arg12 : memref<!tpu.dma_semaphore, #tpu.memory_space<semaphore_mem>>)
    %add3A_40 = arith.constant 8 : i32
    %add3A_41 = arith.addi %mul3A_32, %add3A_40 : i32
    %dma_start3A_42 = arith.constant 0 : i32
    %dma_start3A_43 = tpu.memref_slice %arg2[%select_n3A, %add3A_41, %dma_start3A_42] : memref<4x4096x2048xf32, #tpu.memory_space<hbm>> -> memref<1x8x2048xf32, #tpu.memory_space<hbm>>
    %dma_start3A_44 = tpu.memref_squeeze %dma_start3A_43 : memref<1x8x2048xf32, #tpu.memory_space<hbm>> -> memref<8x2048xf32, #tpu.memory_space<hbm>>
    %dma_start3A_45 = arith.constant 0 : i32
    %dma_start3A_46 = tpu.memref_slice %arg2[%select_n3A, %add3A_41, %dma_start3A_45] : memref<4x4096x2048xf32, #tpu.memory_space<hbm>> -> memref<1x8x2048xf32, #tpu.memory_space<hbm>>
    %dma_start3A_47 = tpu.memref_squeeze %dma_start3A_46 : memref<1x8x2048xf32, #tpu.memory_space<hbm>> -> memref<8x2048xf32, #tpu.memory_space<hbm>>
    tpu.enqueue_dma source(%dma_start3A_47 : memref<8x2048xf32, #tpu.memory_space<hbm>>) target(%arg7 : memref<8x2048xf32, #tpu.memory_space<vmem>>) target_semaphore(%arg13 : memref<!tpu.dma_semaphore, #tpu.memory_space<semaphore_mem>>)
    %add3A_48 = arith.constant 16 : i32
    %add3A_49 = arith.addi %mul3A_32, %add3A_48 : i32
    %dma_start3A_50 = arith.constant 0 : i32
    %dma_start3A_51 = tpu.memref_slice %arg2[%select_n3A, %add3A_49, %dma_start3A_50] : memref<4x4096x2048xf32, #tpu.memory_space<hbm>> -> memref<1x8x2048xf32, #tpu.memory_space<hbm>>
    %dma_start3A_52 = tpu.memref_squeeze %dma_start3A_51 : memref<1x8x2048xf32, #tpu.memory_space<hbm>> -> memref<8x2048xf32, #tpu.memory_space<hbm>>
    %dma_start3A_53 = arith.constant 0 : i32
    %dma_start3A_54 = tpu.memref_slice %arg2[%select_n3A, %add3A_49, %dma_start3A_53] : memref<4x4096x2048xf32, #tpu.memory_space<hbm>> -> memref<1x8x2048xf32, #tpu.memory_space<hbm>>
    %dma_start3A_55 = tpu.memref_squeeze %dma_start3A_54 : memref<1x8x2048xf32, #tpu.memory_space<hbm>> -> memref<8x2048xf32, #tpu.memory_space<hbm>>
    tpu.enqueue_dma source(%dma_start3A_55 : memref<8x2048xf32, #tpu.memory_space<hbm>>) target(%arg8 : memref<8x2048xf32, #tpu.memory_space<vmem>>) target_semaphore(%arg14 : memref<!tpu.dma_semaphore, #tpu.memory_space<semaphore_mem>>)
    %broadcast_in_dim3A = arith.constant 0 : i32
    %broadcast_in_dim3A_56 = vector.broadcast %broadcast_in_dim3A : i32 to vector<16xi32>
    %broadcast_in_dim3A_57 = arith.constant 1 : i32
    %broadcast_in_dim3A_58 = vector.broadcast %broadcast_in_dim3A_57 : i32 to vector<16xi32>
    %broadcast_in_dim3A_59 = arith.constant 2 : i32
    %broadcast_in_dim3A_60 = vector.broadcast %broadcast_in_dim3A_59 : i32 to vector<16xi32>
    %broadcast_in_dim3A_61 = arith.constant 3 : i32
    %broadcast_in_dim3A_62 = vector.broadcast %broadcast_in_dim3A_61 : i32 to vector<16xi32>
    %broadcast_in_dim3A_63 = arith.constant 4 : i32
    %broadcast_in_dim3A_64 = vector.broadcast %broadcast_in_dim3A_63 : i32 to vector<16xi32>
    %broadcast_in_dim3A_65 = arith.constant 5 : i32
    %broadcast_in_dim3A_66 = vector.broadcast %broadcast_in_dim3A_65 : i32 to vector<16xi32>
    %broadcast_in_dim3A_67 = arith.constant 6 : i32
    %broadcast_in_dim3A_68 = vector.broadcast %broadcast_in_dim3A_67 : i32 to vector<16xi32>
    %broadcast_in_dim3A_69 = arith.constant 7 : i32
    %broadcast_in_dim3A_70 = vector.broadcast %broadcast_in_dim3A_69 : i32 to vector<16xi32>
    %scan3A = arith.constant 0 : i32
    %scan3A_71 = arith.constant 0 : i32
    %scan3A_72 = arith.constant 22 : i32
    %scan3A_73 = arith.addi %scan3A_71, %scan3A_72 : i32
    %scan3A_74 = arith.constant 1 : i32
    scf.for %scan3A_99 = %scan3A_71 to %scan3A_73 step %scan3A_74  : i32 {
      %mul3A_100 = arith.constant 3 : i32
      %mul3A_101 = arith.muli %scan3A_99, %mul3A_100 : i32
      %add3A_102 = arith.constant 0 : i32
      %add3A_103 = arith.addi %mul3A_101, %add3A_102 : i32
      %ge3A = arith.constant 3 : i32
      %ge3A_104 = arith.cmpi sge, %add3A_103, %ge3A : i32
      %lt3A_105 = arith.constant 64 : i32
      %lt3A_106 = arith.cmpi slt, %add3A_103, %lt3A_105 : i32
      %and3A_107 = arith.andi %ge3A_104, %lt3A_106 : i1
      %convert_element_type3A = arith.extui %and3A_107 : i1 to i32
      %cond3A = arith.constant 0 : i32
      %cond3A_108 = arith.cmpi ne, %convert_element_type3A, %cond3A : i32
      scf.if %cond3A_108 {
        %sub3A_169 = arith.constant 3 : i32
        %sub3A_170 = arith.subi %add3A_103, %sub3A_169 : i32
        %mul3A_171 = arith.constant 8 : i32
        %mul3A_172 = arith.muli %sub3A_170, %mul3A_171 : i32
        %add3A_173 = arith.addi %mul3A_32, %mul3A_172 : i32
        %dma_wait3A_174 = arith.constant 0 : i32
        %dma_wait3A_175 = tpu.memref_slice %arg4[%select_n3A, %add3A_173, %dma_wait3A_174] : memref<4x4096x2048xf32, #tpu.memory_space<hbm>> -> memref<1x8x2048xf32, #tpu.memory_space<hbm>>
        %dma_wait3A_176 = tpu.memref_squeeze %dma_wait3A_175 : memref<1x8x2048xf32, #tpu.memory_space<hbm>> -> memref<8x2048xf32, #tpu.memory_space<hbm>>
        %dma_wait3A_177 = arith.constant 0 : i32
        %dma_wait3A_178 = tpu.memref_slice %arg4[%select_n3A, %add3A_173, %dma_wait3A_177] : memref<4x4096x2048xf32, #tpu.memory_space<hbm>> -> memref<1x8x2048xf32, #tpu.memory_space<hbm>>
        %dma_wait3A_179 = tpu.memref_squeeze %dma_wait3A_178 : memref<1x8x2048xf32, #tpu.memory_space<hbm>> -> memref<8x2048xf32, #tpu.memory_space<hbm>>
        tpu.wait_dma2 semaphore(%arg15 : memref<!tpu.dma_semaphore, #tpu.memory_space<semaphore_mem>>) src(%arg9 : memref<8x2048xf32, #tpu.memory_space<vmem>>) dst(%dma_wait3A_179 : memref<8x2048xf32, #tpu.memory_space<hbm>>)
      } else {
      }
      %lt3A_109 = arith.constant 64 : i32
      %lt3A_110 = arith.cmpi slt, %add3A_103, %lt3A_109 : i32
      %convert_element_type3A_111 = arith.extui %lt3A_110 : i1 to i32
      %cond3A_112 = arith.constant 0 : i32
      %cond3A_113 = arith.cmpi ne, %convert_element_type3A_111, %cond3A_112 : i32
      scf.if %cond3A_113 {
        %mul3A_169 = arith.constant 8 : i32
        %mul3A_170 = arith.muli %add3A_103, %mul3A_169 : i32
        %add3A_171 = arith.addi %mul3A_32, %mul3A_170 : i32
        %dma_wait3A_172 = arith.constant 0 : i32
        %dma_wait3A_173 = tpu.memref_slice %arg2[%select_n3A, %add3A_171, %dma_wait3A_172] : memref<4x4096x2048xf32, #tpu.memory_space<hbm>> -> memref<1x8x2048xf32, #tpu.memory_space<hbm>>
        %dma_wait3A_174 = tpu.memref_squeeze %dma_wait3A_173 : memref<1x8x2048xf32, #tpu.memory_space<hbm>> -> memref<8x2048xf32, #tpu.memory_space<hbm>>
        %dma_wait3A_175 = arith.constant 0 : i32
        %dma_wait3A_176 = tpu.memref_slice %arg2[%select_n3A, %add3A_171, %dma_wait3A_175] : memref<4x4096x2048xf32, #tpu.memory_space<hbm>> -> memref<1x8x2048xf32, #tpu.memory_space<hbm>>
        %dma_wait3A_177 = tpu.memref_squeeze %dma_wait3A_176 : memref<1x8x2048xf32, #tpu.memory_space<hbm>> -> memref<8x2048xf32, #tpu.memory_space<hbm>>
        tpu.wait_dma2 semaphore(%arg12 : memref<!tpu.dma_semaphore, #tpu.memory_space<semaphore_mem>>) src(%dma_wait3A_177 : memref<8x2048xf32, #tpu.memory_space<hbm>>) dst(%arg6 : memref<8x2048xf32, #tpu.memory_space<vmem>>)
        %parallel_loop3A = arith.constant 0 : i32
        %parallel_loop3A_178 = arith.constant 128 : i32
        %parallel_loop3A_179 = arith.constant 1 : i32
        scf.for %parallel_loop3A_189 = %parallel_loop3A to %parallel_loop3A_178 step %parallel_loop3A_179  : i32 {
          %parallel_loop3A_190 = arith.constant 16 : i32
          %parallel_loop3A_191 = arith.muli %parallel_loop3A_189, %parallel_loop3A_190 : i32
          %parallel_loop3A_192 = arith.index_cast %parallel_loop3A_191 : i32 to index
          %parallel_loop3A_193 = tpu.vector_load %arg5[%parallel_loop3A_192] {strides = array<i32>} : memref<2048xi32, #tpu.memory_space<vmem>>, vector<16xi32>,
          %parallel_loop3A_194 = tpu.vector_load_idx %arg6[%broadcast_in_dim3A_56, %parallel_loop3A_193] : memref<8x2048xf32, #tpu.memory_space<vmem>>[vector<16xi32>, vector<16xi32>], vector<16xf32>,
          %parallel_loop3A_195 = arith.constant 16 : i32
          %parallel_loop3A_196 = arith.muli %parallel_loop3A_189, %parallel_loop3A_195 : i32
          %parallel_loop3A_197 = arith.constant 0 : i32
          %parallel_loop3A_198 = arith.index_cast %parallel_loop3A_197 : i32 to index
          %parallel_loop3A_199 = arith.index_cast %parallel_loop3A_196 : i32 to index
          %parallel_loop3A_200 = tpu.vector_load %arg9[%parallel_loop3A_198, %parallel_loop3A_199] {strides = array<i32>} : memref<8x2048xf32, #tpu.memory_space<vmem>>, vector<16xf32>,
          tpu.vector_store %arg9[%parallel_loop3A_198, %parallel_loop3A_199], %parallel_loop3A_194 {strides = array<i32>} : memref<8x2048xf32, #tpu.memory_space<vmem>>, vector<16xf32>,
          %parallel_loop3A_201 = tpu.vector_load_idx %arg6[%broadcast_in_dim3A_58, %parallel_loop3A_193] : memref<8x2048xf32, #tpu.memory_space<vmem>>[vector<16xi32>, vector<16xi32>], vector<16xf32>,
          %parallel_loop3A_202 = arith.constant 16 : i32
          %parallel_loop3A_203 = arith.muli %parallel_loop3A_189, %parallel_loop3A_202 : i32
          %parallel_loop3A_204 = arith.constant 1 : i32
          %parallel_loop3A_205 = arith.index_cast %parallel_loop3A_204 : i32 to index
          %parallel_loop3A_206 = arith.index_cast %parallel_loop3A_203 : i32 to index
          %parallel_loop3A_207 = tpu.vector_load %arg9[%parallel_loop3A_205, %parallel_loop3A_206] {strides = array<i32>} : memref<8x2048xf32, #tpu.memory_space<vmem>>, vector<16xf32>,
          tpu.vector_store %arg9[%parallel_loop3A_205, %parallel_loop3A_206], %parallel_loop3A_201 {strides = array<i32>} : memref<8x2048xf32, #tpu.memory_space<vmem>>, vector<16xf32>,
          %parallel_loop3A_208 = tpu.vector_load_idx %arg6[%broadcast_in_dim3A_60, %parallel_loop3A_193] : memref<8x2048xf32, #tpu.memory_space<vmem>>[vector<16xi32>, vector<16xi32>], vector<16xf32>,
          %parallel_loop3A_209 = arith.constant 16 : i32
          %parallel_loop3A_210 = arith.muli %parallel_loop3A_189, %parallel_loop3A_209 : i32
          %parallel_loop3A_211 = arith.constant 2 : i32
          %parallel_loop3A_212 = arith.index_cast %parallel_loop3A_211 : i32 to index
          %parallel_loop3A_213 = arith.index_cast %parallel_loop3A_210 : i32 to index
          %parallel_loop3A_214 = tpu.vector_load %arg9[%parallel_loop3A_212, %parallel_loop3A_213] {strides = array<i32>} : memref<8x2048xf32, #tpu.memory_space<vmem>>, vector<16xf32>,
          tpu.vector_store %arg9[%parallel_loop3A_212, %parallel_loop3A_213], %parallel_loop3A_208 {strides = array<i32>} : memref<8x2048xf32, #tpu.memory_space<vmem>>, vector<16xf32>,
          %parallel_loop3A_215 = tpu.vector_load_idx %arg6[%broadcast_in_dim3A_62, %parallel_loop3A_193] : memref<8x2048xf32, #tpu.memory_space<vmem>>[vector<16xi32>, vector<16xi32>], vector<16xf32>,
          %parallel_loop3A_216 = arith.constant 16 : i32
          %parallel_loop3A_217 = arith.muli %parallel_loop3A_189, %parallel_loop3A_216 : i32
          %parallel_loop3A_218 = arith.constant 3 : i32
          %parallel_loop3A_219 = arith.index_cast %parallel_loop3A_218 : i32 to index
          %parallel_loop3A_220 = arith.index_cast %parallel_loop3A_217 : i32 to index
          %parallel_loop3A_221 = tpu.vector_load %arg9[%parallel_loop3A_219, %parallel_loop3A_220] {strides = array<i32>} : memref<8x2048xf32, #tpu.memory_space<vmem>>, vector<16xf32>,
          tpu.vector_store %arg9[%parallel_loop3A_219, %parallel_loop3A_220], %parallel_loop3A_215 {strides = array<i32>} : memref<8x2048xf32, #tpu.memory_space<vmem>>, vector<16xf32>,
          %parallel_loop3A_222 = tpu.vector_load_idx %arg6[%broadcast_in_dim3A_64, %parallel_loop3A_193] : memref<8x2048xf32, #tpu.memory_space<vmem>>[vector<16xi32>, vector<16xi32>], vector<16xf32>,
          %parallel_loop3A_223 = arith.constant 16 : i32
          %parallel_loop3A_224 = arith.muli %parallel_loop3A_189, %parallel_loop3A_223 : i32
          %parallel_loop3A_225 = arith.constant 4 : i32
          %parallel_loop3A_226 = arith.index_cast %parallel_loop3A_225 : i32 to index
          %parallel_loop3A_227 = arith.index_cast %parallel_loop3A_224 : i32 to index
          %parallel_loop3A_228 = tpu.vector_load %arg9[%parallel_loop3A_226, %parallel_loop3A_227] {strides = array<i32>} : memref<8x2048xf32, #tpu.memory_space<vmem>>, vector<16xf32>,
          tpu.vector_store %arg9[%parallel_loop3A_226, %parallel_loop3A_227], %parallel_loop3A_222 {strides = array<i32>} : memref<8x2048xf32, #tpu.memory_space<vmem>>, vector<16xf32>,
          %parallel_loop3A_229 = tpu.vector_load_idx %arg6[%broadcast_in_dim3A_66, %parallel_loop3A_193] : memref<8x2048xf32, #tpu.memory_space<vmem>>[vector<16xi32>, vector<16xi32>], vector<16xf32>,
          %parallel_loop3A_230 = arith.constant 16 : i32
          %parallel_loop3A_231 = arith.muli %parallel_loop3A_189, %parallel_loop3A_230 : i32
          %parallel_loop3A_232 = arith.constant 5 : i32
          %parallel_loop3A_233 = arith.index_cast %parallel_loop3A_232 : i32 to index
          %parallel_loop3A_234 = arith.index_cast %parallel_loop3A_231 : i32 to index
          %parallel_loop3A_235 = tpu.vector_load %arg9[%parallel_loop3A_233, %parallel_loop3A_234] {strides = array<i32>} : memref<8x2048xf32, #tpu.memory_space<vmem>>, vector<16xf32>,
          tpu.vector_store %arg9[%parallel_loop3A_233, %parallel_loop3A_234], %parallel_loop3A_229 {strides = array<i32>} : memref<8x2048xf32, #tpu.memory_space<vmem>>, vector<16xf32>,
          %parallel_loop3A_236 = tpu.vector_load_idx %arg6[%broadcast_in_dim3A_68, %parallel_loop3A_193] : memref<8x2048xf32, #tpu.memory_space<vmem>>[vector<16xi32>, vector<16xi32>], vector<16xf32>,
          %parallel_loop3A_237 = arith.constant 16 : i32
          %parallel_loop3A_238 = arith.muli %parallel_loop3A_189, %parallel_loop3A_237 : i32
          %parallel_loop3A_239 = arith.constant 6 : i32
          %parallel_loop3A_240 = arith.index_cast %parallel_loop3A_239 : i32 to index
          %parallel_loop3A_241 = arith.index_cast %parallel_loop3A_238 : i32 to index
          %parallel_loop3A_242 = tpu.vector_load %arg9[%parallel_loop3A_240, %parallel_loop3A_241] {strides = array<i32>} : memref<8x2048xf32, #tpu.memory_space<vmem>>, vector<16xf32>,
          tpu.vector_store %arg9[%parallel_loop3A_240, %parallel_loop3A_241], %parallel_loop3A_236 {strides = array<i32>} : memref<8x2048xf32, #tpu.memory_space<vmem>>, vector<16xf32>,
          %parallel_loop3A_243 = tpu.vector_load_idx %arg6[%broadcast_in_dim3A_70, %parallel_loop3A_193] : memref<8x2048xf32, #tpu.memory_space<vmem>>[vector<16xi32>, vector<16xi32>], vector<16xf32>,
          %parallel_loop3A_244 = arith.constant 16 : i32
          %parallel_loop3A_245 = arith.muli %parallel_loop3A_189, %parallel_loop3A_244 : i32
          %parallel_loop3A_246 = arith.constant 7 : i32
          %parallel_loop3A_247 = arith.index_cast %parallel_loop3A_246 : i32 to index
          %parallel_loop3A_248 = arith.index_cast %parallel_loop3A_245 : i32 to index
          %parallel_loop3A_249 = tpu.vector_load %arg9[%parallel_loop3A_247, %parallel_loop3A_248] {strides = array<i32>} : memref<8x2048xf32, #tpu.memory_space<vmem>>, vector<16xf32>,
          tpu.vector_store %arg9[%parallel_loop3A_247, %parallel_loop3A_248], %parallel_loop3A_243 {strides = array<i32>} : memref<8x2048xf32, #tpu.memory_space<vmem>>, vector<16xf32>,
        } {sc.loop_unroll_factor = 4 : i64, sc.parallel_access}
        %mul3A_180 = arith.constant 8 : i32
        %mul3A_181 = arith.muli %add3A_103, %mul3A_180 : i32
        %add3A_182 = arith.addi %mul3A_32, %mul3A_181 : i32
        %dma_start3A_183 = arith.constant 0 : i32
        %dma_start3A_184 = tpu.memref_slice %arg4[%select_n3A, %add3A_182, %dma_start3A_183] : memref<4x4096x2048xf32, #tpu.memory_space<hbm>> -> memref<1x8x2048xf32, #tpu.memory_space<hbm>>
        %dma_start3A_185 = tpu.memref_squeeze %dma_start3A_184 : memref<1x8x2048xf32, #tpu.memory_space<hbm>> -> memref<8x2048xf32, #tpu.memory_space<hbm>>
        %dma_start3A_186 = arith.constant 0 : i32
        %dma_start3A_187 = tpu.memref_slice %arg4[%select_n3A, %add3A_182, %dma_start3A_186] : memref<4x4096x2048xf32, #tpu.memory_space<hbm>> -> memref<1x8x2048xf32, #tpu.memory_space<hbm>>
        %dma_start3A_188 = tpu.memref_squeeze %dma_start3A_187 : memref<1x8x2048xf32, #tpu.memory_space<hbm>> -> memref<8x2048xf32, #tpu.memory_space<hbm>>
        tpu.enqueue_dma source(%arg9 : memref<8x2048xf32, #tpu.memory_space<vmem>>) target(%dma_start3A_188 : memref<8x2048xf32, #tpu.memory_space<hbm>>) target_semaphore(%arg15 : memref<!tpu.dma_semaphore, #tpu.memory_space<semaphore_mem>>)
      } else {
      }
      %add3A_114 = arith.constant 3 : i32
      %add3A_115 = arith.addi %add3A_103, %add3A_114 : i32
      %lt3A_116 = arith.constant 64 : i32
      %lt3A_117 = arith.cmpi slt, %add3A_115, %lt3A_116 : i32
      %convert_element_type3A_118 = arith.extui %lt3A_117 : i1 to i32
      %cond3A_119 = arith.constant 0 : i32
      %cond3A_120 = arith.cmpi ne, %convert_element_type3A_118, %cond3A_119 : i32
      scf.if %cond3A_120 {
        %add3A_169 = arith.constant 3 : i32
        %add3A_170 = arith.addi %add3A_103, %add3A_169 : i32
        %mul3A_171 = arith.constant 8 : i32
        %mul3A_172 = arith.muli %add3A_170, %mul3A_171 : i32
        %add3A_173 = arith.addi %mul3A_32, %mul3A_172 : i32
        %dma_start3A_174 = arith.constant 0 : i32
        %dma_start3A_175 = tpu.memref_slice %arg2[%select_n3A, %add3A_173, %dma_start3A_174] : memref<4x4096x2048xf32, #tpu.memory_space<hbm>> -> memref<1x8x2048xf32, #tpu.memory_space<hbm>>
        %dma_start3A_176 = tpu.memref_squeeze %dma_start3A_175 : memref<1x8x2048xf32, #tpu.memory_space<hbm>> -> memref<8x2048xf32, #tpu.memory_space<hbm>>
        %dma_start3A_177 = arith.constant 0 : i32
        %dma_start3A_178 = tpu.memref_slice %arg2[%select_n3A, %add3A_173, %dma_start3A_177] : memref<4x4096x2048xf32, #tpu.memory_space<hbm>> -> memref<1x8x2048xf32, #tpu.memory_space<hbm>>
        %dma_start3A_179 = tpu.memref_squeeze %dma_start3A_178 : memref<1x8x2048xf32, #tpu.memory_space<hbm>> -> memref<8x2048xf32, #tpu.memory_space<hbm>>
        tpu.enqueue_dma source(%dma_start3A_179 : memref<8x2048xf32, #tpu.memory_space<hbm>>) target(%arg6 : memref<8x2048xf32, #tpu.memory_space<vmem>>) target_semaphore(%arg12 : memref<!tpu.dma_semaphore, #tpu.memory_space<semaphore_mem>>)
      } else {
      }
      %mul3A_121 = arith.constant 3 : i32
      %mul3A_122 = arith.muli %scan3A_99, %mul3A_121 : i32
      %add3A_123 = arith.constant 1 : i32
      %add3A_124 = arith.addi %mul3A_122, %add3A_123 : i32
      %ge3A_125 = arith.constant 3 : i32
      %ge3A_126 = arith.cmpi sge, %add3A_124, %ge3A_125 : i32
      %lt3A_127 = arith.constant 64 : i32
      %lt3A_128 = arith.cmpi slt, %add3A_124, %lt3A_127 : i32
      %and3A_129 = arith.andi %ge3A_126, %lt3A_128 : i1
      %convert_element_type3A_130 = arith.extui %and3A_129 : i1 to i32
      %cond3A_131 = arith.constant 0 : i32
      %cond3A_132 = arith.cmpi ne, %convert_element_type3A_130, %cond3A_131 : i32
      scf.if %cond3A_132 {
        %sub3A_169 = arith.constant 3 : i32
        %sub3A_170 = arith.subi %add3A_124, %sub3A_169 : i32
        %mul3A_171 = arith.constant 8 : i32
        %mul3A_172 = arith.muli %sub3A_170, %mul3A_171 : i32
        %add3A_173 = arith.addi %mul3A_32, %mul3A_172 : i32
        %dma_wait3A_174 = arith.constant 0 : i32
        %dma_wait3A_175 = tpu.memref_slice %arg4[%select_n3A, %add3A_173, %dma_wait3A_174] : memref<4x4096x2048xf32, #tpu.memory_space<hbm>> -> memref<1x8x2048xf32, #tpu.memory_space<hbm>>
        %dma_wait3A_176 = tpu.memref_squeeze %dma_wait3A_175 : memref<1x8x2048xf32, #tpu.memory_space<hbm>> -> memref<8x2048xf32, #tpu.memory_space<hbm>>
        %dma_wait3A_177 = arith.constant 0 : i32
        %dma_wait3A_178 = tpu.memref_slice %arg4[%select_n3A, %add3A_173, %dma_wait3A_177] : memref<4x4096x2048xf32, #tpu.memory_space<hbm>> -> memref<1x8x2048xf32, #tpu.memory_space<hbm>>
        %dma_wait3A_179 = tpu.memref_squeeze %dma_wait3A_178 : memref<1x8x2048xf32, #tpu.memory_space<hbm>> -> memref<8x2048xf32, #tpu.memory_space<hbm>>
        tpu.wait_dma2 semaphore(%arg16 : memref<!tpu.dma_semaphore, #tpu.memory_space<semaphore_mem>>) src(%arg10 : memref<8x2048xf32, #tpu.memory_space<vmem>>) dst(%dma_wait3A_179 : memref<8x2048xf32, #tpu.memory_space<hbm>>)
      } else {
      }
      %lt3A_133 = arith.constant 64 : i32
      %lt3A_134 = arith.cmpi slt, %add3A_124, %lt3A_133 : i32
      %convert_element_type3A_135 = arith.extui %lt3A_134 : i1 to i32
      %cond3A_136 = arith.constant 0 : i32
      %cond3A_137 = arith.cmpi ne, %convert_element_type3A_135, %cond3A_136 : i32
      scf.if %cond3A_137 {
        %mul3A_169 = arith.constant 8 : i32
        %mul3A_170 = arith.muli %add3A_124, %mul3A_169 : i32
        %add3A_171 = arith.addi %mul3A_32, %mul3A_170 : i32
        %dma_wait3A_172 = arith.constant 0 : i32
        %dma_wait3A_173 = tpu.memref_slice %arg2[%select_n3A, %add3A_171, %dma_wait3A_172] : memref<4x4096x2048xf32, #tpu.memory_space<hbm>> -> memref<1x8x2048xf32, #tpu.memory_space<hbm>>
        %dma_wait3A_174 = tpu.memref_squeeze %dma_wait3A_173 : memref<1x8x2048xf32, #tpu.memory_space<hbm>> -> memref<8x2048xf32, #tpu.memory_space<hbm>>
        %dma_wait3A_175 = arith.constant 0 : i32
        %dma_wait3A_176 = tpu.memref_slice %arg2[%select_n3A, %add3A_171, %dma_wait3A_175] : memref<4x4096x2048xf32, #tpu.memory_space<hbm>> -> memref<1x8x2048xf32, #tpu.memory_space<hbm>>
        %dma_wait3A_177 = tpu.memref_squeeze %dma_wait3A_176 : memref<1x8x2048xf32, #tpu.memory_space<hbm>> -> memref<8x2048xf32, #tpu.memory_space<hbm>>
        tpu.wait_dma2 semaphore(%arg13 : memref<!tpu.dma_semaphore, #tpu.memory_space<semaphore_mem>>) src(%dma_wait3A_177 : memref<8x2048xf32, #tpu.memory_space<hbm>>) dst(%arg7 : memref<8x2048xf32, #tpu.memory_space<vmem>>)
        %parallel_loop3A = arith.constant 0 : i32
        %parallel_loop3A_178 = arith.constant 128 : i32
        %parallel_loop3A_179 = arith.constant 1 : i32
        scf.for %parallel_loop3A_189 = %parallel_loop3A to %parallel_loop3A_178 step %parallel_loop3A_179  : i32 {
          %parallel_loop3A_190 = arith.constant 16 : i32
          %parallel_loop3A_191 = arith.muli %parallel_loop3A_189, %parallel_loop3A_190 : i32
          %parallel_loop3A_192 = arith.index_cast %parallel_loop3A_191 : i32 to index
          %parallel_loop3A_193 = tpu.vector_load %arg5[%parallel_loop3A_192] {strides = array<i32>} : memref<2048xi32, #tpu.memory_space<vmem>>, vector<16xi32>,
          %parallel_loop3A_194 = tpu.vector_load_idx %arg7[%broadcast_in_dim3A_56, %parallel_loop3A_193] : memref<8x2048xf32, #tpu.memory_space<vmem>>[vector<16xi32>, vector<16xi32>], vector<16xf32>,
          %parallel_loop3A_195 = arith.constant 16 : i32
          %parallel_loop3A_196 = arith.muli %parallel_loop3A_189, %parallel_loop3A_195 : i32
          %parallel_loop3A_197 = arith.constant 0 : i32
          %parallel_loop3A_198 = arith.index_cast %parallel_loop3A_197 : i32 to index
          %parallel_loop3A_199 = arith.index_cast %parallel_loop3A_196 : i32 to index
          %parallel_loop3A_200 = tpu.vector_load %arg10[%parallel_loop3A_198, %parallel_loop3A_199] {strides = array<i32>} : memref<8x2048xf32, #tpu.memory_space<vmem>>, vector<16xf32>,
          tpu.vector_store %arg10[%parallel_loop3A_198, %parallel_loop3A_199], %parallel_loop3A_194 {strides = array<i32>} : memref<8x2048xf32, #tpu.memory_space<vmem>>, vector<16xf32>,
          %parallel_loop3A_201 = tpu.vector_load_idx %arg7[%broadcast_in_dim3A_58, %parallel_loop3A_193] : memref<8x2048xf32, #tpu.memory_space<vmem>>[vector<16xi32>, vector<16xi32>], vector<16xf32>,
          %parallel_loop3A_202 = arith.constant 16 : i32
          %parallel_loop3A_203 = arith.muli %parallel_loop3A_189, %parallel_loop3A_202 : i32
          %parallel_loop3A_204 = arith.constant 1 : i32
          %parallel_loop3A_205 = arith.index_cast %parallel_loop3A_204 : i32 to index
          %parallel_loop3A_206 = arith.index_cast %parallel_loop3A_203 : i32 to index
          %parallel_loop3A_207 = tpu.vector_load %arg10[%parallel_loop3A_205, %parallel_loop3A_206] {strides = array<i32>} : memref<8x2048xf32, #tpu.memory_space<vmem>>, vector<16xf32>,
          tpu.vector_store %arg10[%parallel_loop3A_205, %parallel_loop3A_206], %parallel_loop3A_201 {strides = array<i32>} : memref<8x2048xf32, #tpu.memory_space<vmem>>, vector<16xf32>,
          %parallel_loop3A_208 = tpu.vector_load_idx %arg7[%broadcast_in_dim3A_60, %parallel_loop3A_193] : memref<8x2048xf32, #tpu.memory_space<vmem>>[vector<16xi32>, vector<16xi32>], vector<16xf32>,
          %parallel_loop3A_209 = arith.constant 16 : i32
          %parallel_loop3A_210 = arith.muli %parallel_loop3A_189, %parallel_loop3A_209 : i32
          %parallel_loop3A_211 = arith.constant 2 : i32
          %parallel_loop3A_212 = arith.index_cast %parallel_loop3A_211 : i32 to index
          %parallel_loop3A_213 = arith.index_cast %parallel_loop3A_210 : i32 to index
          %parallel_loop3A_214 = tpu.vector_load %arg10[%parallel_loop3A_212, %parallel_loop3A_213] {strides = array<i32>} : memref<8x2048xf32, #tpu.memory_space<vmem>>, vector<16xf32>,
          tpu.vector_store %arg10[%parallel_loop3A_212, %parallel_loop3A_213], %parallel_loop3A_208 {strides = array<i32>} : memref<8x2048xf32, #tpu.memory_space<vmem>>, vector<16xf32>,
          %parallel_loop3A_215 = tpu.vector_load_idx %arg7[%broadcast_in_dim3A_62, %parallel_loop3A_193] : memref<8x2048xf32, #tpu.memory_space<vmem>>[vector<16xi32>, vector<16xi32>], vector<16xf32>,
          %parallel_loop3A_216 = arith.constant 16 : i32
          %parallel_loop3A_217 = arith.muli %parallel_loop3A_189, %parallel_loop3A_216 : i32
          %parallel_loop3A_218 = arith.constant 3 : i32
          %parallel_loop3A_219 = arith.index_cast %parallel_loop3A_218 : i32 to index
          %parallel_loop3A_220 = arith.index_cast %parallel_loop3A_217 : i32 to index
          %parallel_loop3A_221 = tpu.vector_load %arg10[%parallel_loop3A_219, %parallel_loop3A_220] {strides = array<i32>} : memref<8x2048xf32, #tpu.memory_space<vmem>>, vector<16xf32>,
          tpu.vector_store %arg10[%parallel_loop3A_219, %parallel_loop3A_220], %parallel_loop3A_215 {strides = array<i32>} : memref<8x2048xf32, #tpu.memory_space<vmem>>, vector<16xf32>,
          %parallel_loop3A_222 = tpu.vector_load_idx %arg7[%broadcast_in_dim3A_64, %parallel_loop3A_193] : memref<8x2048xf32, #tpu.memory_space<vmem>>[vector<16xi32>, vector<16xi32>], vector<16xf32>,
          %parallel_loop3A_223 = arith.constant 16 : i32
          %parallel_loop3A_224 = arith.muli %parallel_loop3A_189, %parallel_loop3A_223 : i32
          %parallel_loop3A_225 = arith.constant 4 : i32
          %parallel_loop3A_226 = arith.index_cast %parallel_loop3A_225 : i32 to index
          %parallel_loop3A_227 = arith.index_cast %parallel_loop3A_224 : i32 to index
          %parallel_loop3A_228 = tpu.vector_load %arg10[%parallel_loop3A_226, %parallel_loop3A_227] {strides = array<i32>} : memref<8x2048xf32, #tpu.memory_space<vmem>>, vector<16xf32>,
          tpu.vector_store %arg10[%parallel_loop3A_226, %parallel_loop3A_227], %parallel_loop3A_222 {strides = array<i32>} : memref<8x2048xf32, #tpu.memory_space<vmem>>, vector<16xf32>,
          %parallel_loop3A_229 = tpu.vector_load_idx %arg7[%broadcast_in_dim3A_66, %parallel_loop3A_193] : memref<8x2048xf32, #tpu.memory_space<vmem>>[vector<16xi32>, vector<16xi32>], vector<16xf32>,
          %parallel_loop3A_230 = arith.constant 16 : i32
          %parallel_loop3A_231 = arith.muli %parallel_loop3A_189, %parallel_loop3A_230 : i32
          %parallel_loop3A_232 = arith.constant 5 : i32
          %parallel_loop3A_233 = arith.index_cast %parallel_loop3A_232 : i32 to index
          %parallel_loop3A_234 = arith.index_cast %parallel_loop3A_231 : i32 to index
          %parallel_loop3A_235 = tpu.vector_load %arg10[%parallel_loop3A_233, %parallel_loop3A_234] {strides = array<i32>} : memref<8x2048xf32, #tpu.memory_space<vmem>>, vector<16xf32>,
          tpu.vector_store %arg10[%parallel_loop3A_233, %parallel_loop3A_234], %parallel_loop3A_229 {strides = array<i32>} : memref<8x2048xf32, #tpu.memory_space<vmem>>, vector<16xf32>,
          %parallel_loop3A_236 = tpu.vector_load_idx %arg7[%broadcast_in_dim3A_68, %parallel_loop3A_193] : memref<8x2048xf32, #tpu.memory_space<vmem>>[vector<16xi32>, vector<16xi32>], vector<16xf32>,
          %parallel_loop3A_237 = arith.constant 16 : i32
          %parallel_loop3A_238 = arith.muli %parallel_loop3A_189, %parallel_loop3A_237 : i32
          %parallel_loop3A_239 = arith.constant 6 : i32
          %parallel_loop3A_240 = arith.index_cast %parallel_loop3A_239 : i32 to index
          %parallel_loop3A_241 = arith.index_cast %parallel_loop3A_238 : i32 to index
          %parallel_loop3A_242 = tpu.vector_load %arg10[%parallel_loop3A_240, %parallel_loop3A_241] {strides = array<i32>} : memref<8x2048xf32, #tpu.memory_space<vmem>>, vector<16xf32>,
          tpu.vector_store %arg10[%parallel_loop3A_240, %parallel_loop3A_241], %parallel_loop3A_236 {strides = array<i32>} : memref<8x2048xf32, #tpu.memory_space<vmem>>, vector<16xf32>,
          %parallel_loop3A_243 = tpu.vector_load_idx %arg7[%broadcast_in_dim3A_70, %parallel_loop3A_193] : memref<8x2048xf32, #tpu.memory_space<vmem>>[vector<16xi32>, vector<16xi32>], vector<16xf32>,
          %parallel_loop3A_244 = arith.constant 16 : i32
          %parallel_loop3A_245 = arith.muli %parallel_loop3A_189, %parallel_loop3A_244 : i32
          %parallel_loop3A_246 = arith.constant 7 : i32
          %parallel_loop3A_247 = arith.index_cast %parallel_loop3A_246 : i32 to index
          %parallel_loop3A_248 = arith.index_cast %parallel_loop3A_245 : i32 to index
          %parallel_loop3A_249 = tpu.vector_load %arg10[%parallel_loop3A_247, %parallel_loop3A_248] {strides = array<i32>} : memref<8x2048xf32, #tpu.memory_space<vmem>>, vector<16xf32>,
          tpu.vector_store %arg10[%parallel_loop3A_247, %parallel_loop3A_248], %parallel_loop3A_243 {strides = array<i32>} : memref<8x2048xf32, #tpu.memory_space<vmem>>, vector<16xf32>,
        } {sc.loop_unroll_factor = 4 : i64, sc.parallel_access}
        %mul3A_180 = arith.constant 8 : i32
        %mul3A_181 = arith.muli %add3A_124, %mul3A_180 : i32
        %add3A_182 = arith.addi %mul3A_32, %mul3A_181 : i32
        %dma_start3A_183 = arith.constant 0 : i32
        %dma_start3A_184 = tpu.memref_slice %arg4[%select_n3A, %add3A_182, %dma_start3A_183] : memref<4x4096x2048xf32, #tpu.memory_space<hbm>> -> memref<1x8x2048xf32, #tpu.memory_space<hbm>>
        %dma_start3A_185 = tpu.memref_squeeze %dma_start3A_184 : memref<1x8x2048xf32, #tpu.memory_space<hbm>> -> memref<8x2048xf32, #tpu.memory_space<hbm>>
        %dma_start3A_186 = arith.constant 0 : i32
        %dma_start3A_187 = tpu.memref_slice %arg4[%select_n3A, %add3A_182, %dma_start3A_186] : memref<4x4096x2048xf32, #tpu.memory_space<hbm>> -> memref<1x8x2048xf32, #tpu.memory_space<hbm>>
        %dma_start3A_188 = tpu.memref_squeeze %dma_start3A_187 : memref<1x8x2048xf32, #tpu.memory_space<hbm>> -> memref<8x2048xf32, #tpu.memory_space<hbm>>
        tpu.enqueue_dma source(%arg10 : memref<8x2048xf32, #tpu.memory_space<vmem>>) target(%dma_start3A_188 : memref<8x2048xf32, #tpu.memory_space<hbm>>) target_semaphore(%arg16 : memref<!tpu.dma_semaphore, #tpu.memory_space<semaphore_mem>>)
      } else {
      }
      %add3A_138 = arith.constant 3 : i32
      %add3A_139 = arith.addi %add3A_124, %add3A_138 : i32
      %lt3A_140 = arith.constant 64 : i32
      %lt3A_141 = arith.cmpi slt, %add3A_139, %lt3A_140 : i32
      %convert_element_type3A_142 = arith.extui %lt3A_141 : i1 to i32
      %cond3A_143 = arith.constant 0 : i32
      %cond3A_144 = arith.cmpi ne, %convert_element_type3A_142, %cond3A_143 : i32
      scf.if %cond3A_144 {
        %add3A_169 = arith.constant 3 : i32
        %add3A_170 = arith.addi %add3A_124, %add3A_169 : i32
        %mul3A_171 = arith.constant 8 : i32
        %mul3A_172 = arith.muli %add3A_170, %mul3A_171 : i32
        %add3A_173 = arith.addi %mul3A_32, %mul3A_172 : i32
        %dma_start3A_174 = arith.constant 0 : i32
        %dma_start3A_175 = tpu.memref_slice %arg2[%select_n3A, %add3A_173, %dma_start3A_174] : memref<4x4096x2048xf32, #tpu.memory_space<hbm>> -> memref<1x8x2048xf32, #tpu.memory_space<hbm>>
        %dma_start3A_176 = tpu.memref_squeeze %dma_start3A_175 : memref<1x8x2048xf32, #tpu.memory_space<hbm>> -> memref<8x2048xf32, #tpu.memory_space<hbm>>
        %dma_start3A_177 = arith.constant 0 : i32
        %dma_start3A_178 = tpu.memref_slice %arg2[%select_n3A, %add3A_173, %dma_start3A_177] : memref<4x4096x2048xf32, #tpu.memory_space<hbm>> -> memref<1x8x2048xf32, #tpu.memory_space<hbm>>
        %dma_start3A_179 = tpu.memref_squeeze %dma_start3A_178 : memref<1x8x2048xf32, #tpu.memory_space<hbm>> -> memref<8x2048xf32, #tpu.memory_space<hbm>>
        tpu.enqueue_dma source(%dma_start3A_179 : memref<8x2048xf32, #tpu.memory_space<hbm>>) target(%arg7 : memref<8x2048xf32, #tpu.memory_space<vmem>>) target_semaphore(%arg13 : memref<!tpu.dma_semaphore, #tpu.memory_space<semaphore_mem>>)
      } else {
      }
      %mul3A_145 = arith.constant 3 : i32
      %mul3A_146 = arith.muli %scan3A_99, %mul3A_145 : i32
      %add3A_147 = arith.constant 2 : i32
      %add3A_148 = arith.addi %mul3A_146, %add3A_147 : i32
      %ge3A_149 = arith.constant 3 : i32
      %ge3A_150 = arith.cmpi sge, %add3A_148, %ge3A_149 : i32
      %lt3A_151 = arith.constant 64 : i32
      %lt3A_152 = arith.cmpi slt, %add3A_148, %lt3A_151 : i32
      %and3A_153 = arith.andi %ge3A_150, %lt3A_152 : i1
      %convert_element_type3A_154 = arith.extui %and3A_153 : i1 to i32
      %cond3A_155 = arith.constant 0 : i32
      %cond3A_156 = arith.cmpi ne, %convert_element_type3A_154, %cond3A_155 : i32
      scf.if %cond3A_156 {
        %sub3A_169 = arith.constant 3 : i32
        %sub3A_170 = arith.subi %add3A_148, %sub3A_169 : i32
        %mul3A_171 = arith.constant 8 : i32
        %mul3A_172 = arith.muli %sub3A_170, %mul3A_171 : i32
        %add3A_173 = arith.addi %mul3A_32, %mul3A_172 : i32
        %dma_wait3A_174 = arith.constant 0 : i32
        %dma_wait3A_175 = tpu.memref_slice %arg4[%select_n3A, %add3A_173, %dma_wait3A_174] : memref<4x4096x2048xf32, #tpu.memory_space<hbm>> -> memref<1x8x2048xf32, #tpu.memory_space<hbm>>
        %dma_wait3A_176 = tpu.memref_squeeze %dma_wait3A_175 : memref<1x8x2048xf32, #tpu.memory_space<hbm>> -> memref<8x2048xf32, #tpu.memory_space<hbm>>
        %dma_wait3A_177 = arith.constant 0 : i32
        %dma_wait3A_178 = tpu.memref_slice %arg4[%select_n3A, %add3A_173, %dma_wait3A_177] : memref<4x4096x2048xf32, #tpu.memory_space<hbm>> -> memref<1x8x2048xf32, #tpu.memory_space<hbm>>
        %dma_wait3A_179 = tpu.memref_squeeze %dma_wait3A_178 : memref<1x8x2048xf32, #tpu.memory_space<hbm>> -> memref<8x2048xf32, #tpu.memory_space<hbm>>
        tpu.wait_dma2 semaphore(%arg17 : memref<!tpu.dma_semaphore, #tpu.memory_space<semaphore_mem>>) src(%arg11 : memref<8x2048xf32, #tpu.memory_space<vmem>>) dst(%dma_wait3A_179 : memref<8x2048xf32, #tpu.memory_space<hbm>>)
      } else {
      }
      %lt3A_157 = arith.constant 64 : i32
      %lt3A_158 = arith.cmpi slt, %add3A_148, %lt3A_157 : i32
      %convert_element_type3A_159 = arith.extui %lt3A_158 : i1 to i32
      %cond3A_160 = arith.constant 0 : i32
      %cond3A_161 = arith.cmpi ne, %convert_element_type3A_159, %cond3A_160 : i32
      scf.if %cond3A_161 {
        %mul3A_169 = arith.constant 8 : i32
        %mul3A_170 = arith.muli %add3A_148, %mul3A_169 : i32
        %add3A_171 = arith.addi %mul3A_32, %mul3A_170 : i32
        %dma_wait3A_172 = arith.constant 0 : i32
        %dma_wait3A_173 = tpu.memref_slice %arg2[%select_n3A, %add3A_171, %dma_wait3A_172] : memref<4x4096x2048xf32, #tpu.memory_space<hbm>> -> memref<1x8x2048xf32, #tpu.memory_space<hbm>>
        %dma_wait3A_174 = tpu.memref_squeeze %dma_wait3A_173 : memref<1x8x2048xf32, #tpu.memory_space<hbm>> -> memref<8x2048xf32, #tpu.memory_space<hbm>>
        %dma_wait3A_175 = arith.constant 0 : i32
        %dma_wait3A_176 = tpu.memref_slice %arg2[%select_n3A, %add3A_171, %dma_wait3A_175] : memref<4x4096x2048xf32, #tpu.memory_space<hbm>> -> memref<1x8x2048xf32, #tpu.memory_space<hbm>>
        %dma_wait3A_177 = tpu.memref_squeeze %dma_wait3A_176 : memref<1x8x2048xf32, #tpu.memory_space<hbm>> -> memref<8x2048xf32, #tpu.memory_space<hbm>>
        tpu.wait_dma2 semaphore(%arg14 : memref<!tpu.dma_semaphore, #tpu.memory_space<semaphore_mem>>) src(%dma_wait3A_177 : memref<8x2048xf32, #tpu.memory_space<hbm>>) dst(%arg8 : memref<8x2048xf32, #tpu.memory_space<vmem>>)
        %parallel_loop3A = arith.constant 0 : i32
        %parallel_loop3A_178 = arith.constant 128 : i32
        %parallel_loop3A_179 = arith.constant 1 : i32
        scf.for %parallel_loop3A_189 = %parallel_loop3A to %parallel_loop3A_178 step %parallel_loop3A_179  : i32 {
          %parallel_loop3A_190 = arith.constant 16 : i32
          %parallel_loop3A_191 = arith.muli %parallel_loop3A_189, %parallel_loop3A_190 : i32
          %parallel_loop3A_192 = arith.index_cast %parallel_loop3A_191 : i32 to index
          %parallel_loop3A_193 = tpu.vector_load %arg5[%parallel_loop3A_192] {strides = array<i32>} : memref<2048xi32, #tpu.memory_space<vmem>>, vector<16xi32>,
          %parallel_loop3A_194 = tpu.vector_load_idx %arg8[%broadcast_in_dim3A_56, %parallel_loop3A_193] : memref<8x2048xf32, #tpu.memory_space<vmem>>[vector<16xi32>, vector<16xi32>], vector<16xf32>,
          %parallel_loop3A_195 = arith.constant 16 : i32
          %parallel_loop3A_196 = arith.muli %parallel_loop3A_189, %parallel_loop3A_195 : i32
          %parallel_loop3A_197 = arith.constant 0 : i32
          %parallel_loop3A_198 = arith.index_cast %parallel_loop3A_197 : i32 to index
          %parallel_loop3A_199 = arith.index_cast %parallel_loop3A_196 : i32 to index
          %parallel_loop3A_200 = tpu.vector_load %arg11[%parallel_loop3A_198, %parallel_loop3A_199] {strides = array<i32>} : memref<8x2048xf32, #tpu.memory_space<vmem>>, vector<16xf32>,
          tpu.vector_store %arg11[%parallel_loop3A_198, %parallel_loop3A_199], %parallel_loop3A_194 {strides = array<i32>} : memref<8x2048xf32, #tpu.memory_space<vmem>>, vector<16xf32>,
          %parallel_loop3A_201 = tpu.vector_load_idx %arg8[%broadcast_in_dim3A_58, %parallel_loop3A_193] : memref<8x2048xf32, #tpu.memory_space<vmem>>[vector<16xi32>, vector<16xi32>], vector<16xf32>,
          %parallel_loop3A_202 = arith.constant 16 : i32
          %parallel_loop3A_203 = arith.muli %parallel_loop3A_189, %parallel_loop3A_202 : i32
          %parallel_loop3A_204 = arith.constant 1 : i32
          %parallel_loop3A_205 = arith.index_cast %parallel_loop3A_204 : i32 to index
          %parallel_loop3A_206 = arith.index_cast %parallel_loop3A_203 : i32 to index
          %parallel_loop3A_207 = tpu.vector_load %arg11[%parallel_loop3A_205, %parallel_loop3A_206] {strides = array<i32>} : memref<8x2048xf32, #tpu.memory_space<vmem>>, vector<16xf32>,
          tpu.vector_store %arg11[%parallel_loop3A_205, %parallel_loop3A_206], %parallel_loop3A_201 {strides = array<i32>} : memref<8x2048xf32, #tpu.memory_space<vmem>>, vector<16xf32>,
          %parallel_loop3A_208 = tpu.vector_load_idx %arg8[%broadcast_in_dim3A_60, %parallel_loop3A_193] : memref<8x2048xf32, #tpu.memory_space<vmem>>[vector<16xi32>, vector<16xi32>], vector<16xf32>,
          %parallel_loop3A_209 = arith.constant 16 : i32
          %parallel_loop3A_210 = arith.muli %parallel_loop3A_189, %parallel_loop3A_209 : i32
          %parallel_loop3A_211 = arith.constant 2 : i32
          %parallel_loop3A_212 = arith.index_cast %parallel_loop3A_211 : i32 to index
          %parallel_loop3A_213 = arith.index_cast %parallel_loop3A_210 : i32 to index
          %parallel_loop3A_214 = tpu.vector_load %arg11[%parallel_loop3A_212, %parallel_loop3A_213] {strides = array<i32>} : memref<8x2048xf32, #tpu.memory_space<vmem>>, vector<16xf32>,
          tpu.vector_store %arg11[%parallel_loop3A_212, %parallel_loop3A_213], %parallel_loop3A_208 {strides = array<i32>} : memref<8x2048xf32, #tpu.memory_space<vmem>>, vector<16xf32>,
          %parallel_loop3A_215 = tpu.vector_load_idx %arg8[%broadcast_in_dim3A_62, %parallel_loop3A_193] : memref<8x2048xf32, #tpu.memory_space<vmem>>[vector<16xi32>, vector<16xi32>], vector<16xf32>,
          %parallel_loop3A_216 = arith.constant 16 : i32
          %parallel_loop3A_217 = arith.muli %parallel_loop3A_189, %parallel_loop3A_216 : i32
          %parallel_loop3A_218 = arith.constant 3 : i32
          %parallel_loop3A_219 = arith.index_cast %parallel_loop3A_218 : i32 to index
          %parallel_loop3A_220 = arith.index_cast %parallel_loop3A_217 : i32 to index
          %parallel_loop3A_221 = tpu.vector_load %arg11[%parallel_loop3A_219, %parallel_loop3A_220] {strides = array<i32>} : memref<8x2048xf32, #tpu.memory_space<vmem>>, vector<16xf32>,
          tpu.vector_store %arg11[%parallel_loop3A_219, %parallel_loop3A_220], %parallel_loop3A_215 {strides = array<i32>} : memref<8x2048xf32, #tpu.memory_space<vmem>>, vector<16xf32>,
          %parallel_loop3A_222 = tpu.vector_load_idx %arg8[%broadcast_in_dim3A_64, %parallel_loop3A_193] : memref<8x2048xf32, #tpu.memory_space<vmem>>[vector<16xi32>, vector<16xi32>], vector<16xf32>,
          %parallel_loop3A_223 = arith.constant 16 : i32
          %parallel_loop3A_224 = arith.muli %parallel_loop3A_189, %parallel_loop3A_223 : i32
          %parallel_loop3A_225 = arith.constant 4 : i32
          %parallel_loop3A_226 = arith.index_cast %parallel_loop3A_225 : i32 to index
          %parallel_loop3A_227 = arith.index_cast %parallel_loop3A_224 : i32 to index
          %parallel_loop3A_228 = tpu.vector_load %arg11[%parallel_loop3A_226, %parallel_loop3A_227] {strides = array<i32>} : memref<8x2048xf32, #tpu.memory_space<vmem>>, vector<16xf32>,
          tpu.vector_store %arg11[%parallel_loop3A_226, %parallel_loop3A_227], %parallel_loop3A_222 {strides = array<i32>} : memref<8x2048xf32, #tpu.memory_space<vmem>>, vector<16xf32>,
          %parallel_loop3A_229 = tpu.vector_load_idx %arg8[%broadcast_in_dim3A_66, %parallel_loop3A_193] : memref<8x2048xf32, #tpu.memory_space<vmem>>[vector<16xi32>, vector<16xi32>], vector<16xf32>,
          %parallel_loop3A_230 = arith.constant 16 : i32
          %parallel_loop3A_231 = arith.muli %parallel_loop3A_189, %parallel_loop3A_230 : i32
          %parallel_loop3A_232 = arith.constant 5 : i32
          %parallel_loop3A_233 = arith.index_cast %parallel_loop3A_232 : i32 to index
          %parallel_loop3A_234 = arith.index_cast %parallel_loop3A_231 : i32 to index
          %parallel_loop3A_235 = tpu.vector_load %arg11[%parallel_loop3A_233, %parallel_loop3A_234] {strides = array<i32>} : memref<8x2048xf32, #tpu.memory_space<vmem>>, vector<16xf32>,
          tpu.vector_store %arg11[%parallel_loop3A_233, %parallel_loop3A_234], %parallel_loop3A_229 {strides = array<i32>} : memref<8x2048xf32, #tpu.memory_space<vmem>>, vector<16xf32>,
          %parallel_loop3A_236 = tpu.vector_load_idx %arg8[%broadcast_in_dim3A_68, %parallel_loop3A_193] : memref<8x2048xf32, #tpu.memory_space<vmem>>[vector<16xi32>, vector<16xi32>], vector<16xf32>,
          %parallel_loop3A_237 = arith.constant 16 : i32
          %parallel_loop3A_238 = arith.muli %parallel_loop3A_189, %parallel_loop3A_237 : i32
          %parallel_loop3A_239 = arith.constant 6 : i32
          %parallel_loop3A_240 = arith.index_cast %parallel_loop3A_239 : i32 to index
          %parallel_loop3A_241 = arith.index_cast %parallel_loop3A_238 : i32 to index
          %parallel_loop3A_242 = tpu.vector_load %arg11[%parallel_loop3A_240, %parallel_loop3A_241] {strides = array<i32>} : memref<8x2048xf32, #tpu.memory_space<vmem>>, vector<16xf32>,
          tpu.vector_store %arg11[%parallel_loop3A_240, %parallel_loop3A_241], %parallel_loop3A_236 {strides = array<i32>} : memref<8x2048xf32, #tpu.memory_space<vmem>>, vector<16xf32>,
          %parallel_loop3A_243 = tpu.vector_load_idx %arg8[%broadcast_in_dim3A_70, %parallel_loop3A_193] : memref<8x2048xf32, #tpu.memory_space<vmem>>[vector<16xi32>, vector<16xi32>], vector<16xf32>,
          %parallel_loop3A_244 = arith.constant 16 : i32
          %parallel_loop3A_245 = arith.muli %parallel_loop3A_189, %parallel_loop3A_244 : i32
          %parallel_loop3A_246 = arith.constant 7 : i32
          %parallel_loop3A_247 = arith.index_cast %parallel_loop3A_246 : i32 to index
          %parallel_loop3A_248 = arith.index_cast %parallel_loop3A_245 : i32 to index
          %parallel_loop3A_249 = tpu.vector_load %arg11[%parallel_loop3A_247, %parallel_loop3A_248] {strides = array<i32>} : memref<8x2048xf32, #tpu.memory_space<vmem>>, vector<16xf32>,
          tpu.vector_store %arg11[%parallel_loop3A_247, %parallel_loop3A_248], %parallel_loop3A_243 {strides = array<i32>} : memref<8x2048xf32, #tpu.memory_space<vmem>>, vector<16xf32>,
        } {sc.loop_unroll_factor = 4 : i64, sc.parallel_access}
        %mul3A_180 = arith.constant 8 : i32
        %mul3A_181 = arith.muli %add3A_148, %mul3A_180 : i32
        %add3A_182 = arith.addi %mul3A_32, %mul3A_181 : i32
        %dma_start3A_183 = arith.constant 0 : i32
        %dma_start3A_184 = tpu.memref_slice %arg4[%select_n3A, %add3A_182, %dma_start3A_183] : memref<4x4096x2048xf32, #tpu.memory_space<hbm>> -> memref<1x8x2048xf32, #tpu.memory_space<hbm>>
        %dma_start3A_185 = tpu.memref_squeeze %dma_start3A_184 : memref<1x8x2048xf32, #tpu.memory_space<hbm>> -> memref<8x2048xf32, #tpu.memory_space<hbm>>
        %dma_start3A_186 = arith.constant 0 : i32
        %dma_start3A_187 = tpu.memref_slice %arg4[%select_n3A, %add3A_182, %dma_start3A_186] : memref<4x4096x2048xf32, #tpu.memory_space<hbm>> -> memref<1x8x2048xf32, #tpu.memory_space<hbm>>
        %dma_start3A_188 = tpu.memref_squeeze %dma_start3A_187 : memref<1x8x2048xf32, #tpu.memory_space<hbm>> -> memref<8x2048xf32, #tpu.memory_space<hbm>>
        tpu.enqueue_dma source(%arg11 : memref<8x2048xf32, #tpu.memory_space<vmem>>) target(%dma_start3A_188 : memref<8x2048xf32, #tpu.memory_space<hbm>>) target_semaphore(%arg17 : memref<!tpu.dma_semaphore, #tpu.memory_space<semaphore_mem>>)
      } else {
      }
      %add3A_162 = arith.constant 3 : i32
      %add3A_163 = arith.addi %add3A_148, %add3A_162 : i32
      %lt3A_164 = arith.constant 64 : i32
      %lt3A_165 = arith.cmpi slt, %add3A_163, %lt3A_164 : i32
      %convert_element_type3A_166 = arith.extui %lt3A_165 : i1 to i32
      %cond3A_167 = arith.constant 0 : i32
      %cond3A_168 = arith.cmpi ne, %convert_element_type3A_166, %cond3A_167 : i32
      scf.if %cond3A_168 {
        %add3A_169 = arith.constant 3 : i32
        %add3A_170 = arith.addi %add3A_148, %add3A_169 : i32
        %mul3A_171 = arith.constant 8 : i32
        %mul3A_172 = arith.muli %add3A_170, %mul3A_171 : i32
        %add3A_173 = arith.addi %mul3A_32, %mul3A_172 : i32
        %dma_start3A_174 = arith.constant 0 : i32
        %dma_start3A_175 = tpu.memref_slice %arg2[%select_n3A, %add3A_173, %dma_start3A_174] : memref<4x4096x2048xf32, #tpu.memory_space<hbm>> -> memref<1x8x2048xf32, #tpu.memory_space<hbm>>
        %dma_start3A_176 = tpu.memref_squeeze %dma_start3A_175 : memref<1x8x2048xf32, #tpu.memory_space<hbm>> -> memref<8x2048xf32, #tpu.memory_space<hbm>>
        %dma_start3A_177 = arith.constant 0 : i32
        %dma_start3A_178 = tpu.memref_slice %arg2[%select_n3A, %add3A_173, %dma_start3A_177] : memref<4x4096x2048xf32, #tpu.memory_space<hbm>> -> memref<1x8x2048xf32, #tpu.memory_space<hbm>>
        %dma_start3A_179 = tpu.memref_squeeze %dma_start3A_178 : memref<1x8x2048xf32, #tpu.memory_space<hbm>> -> memref<8x2048xf32, #tpu.memory_space<hbm>>
        tpu.enqueue_dma source(%dma_start3A_179 : memref<8x2048xf32, #tpu.memory_space<hbm>>) target(%arg8 : memref<8x2048xf32, #tpu.memory_space<vmem>>) target_semaphore(%arg14 : memref<!tpu.dma_semaphore, #tpu.memory_space<semaphore_mem>>)
      } else {
      }
    }
    %scan3A_75 = arith.constant 22 : i32
    %add3A_76 = arith.constant 488 : i32
    %add3A_77 = arith.addi %mul3A_32, %add3A_76 : i32
    %dma_wait3A = arith.constant 0 : i32
    %dma_wait3A_78 = tpu.memref_slice %arg4[%select_n3A, %add3A_77, %dma_wait3A] : memref<4x4096x2048xf32, #tpu.memory_space<hbm>> -> memref<1x8x2048xf32, #tpu.memory_space<hbm>>
    %dma_wait3A_79 = tpu.memref_squeeze %dma_wait3A_78 : memref<1x8x2048xf32, #tpu.memory_space<hbm>> -> memref<8x2048xf32, #tpu.memory_space<hbm>>
    %dma_wait3A_80 = arith.constant 0 : i32
    %dma_wait3A_81 = tpu.memref_slice %arg4[%select_n3A, %add3A_77, %dma_wait3A_80] : memref<4x4096x2048xf32, #tpu.memory_space<hbm>> -> memref<1x8x2048xf32, #tpu.memory_space<hbm>>
    %dma_wait3A_82 = tpu.memref_squeeze %dma_wait3A_81 : memref<1x8x2048xf32, #tpu.memory_space<hbm>> -> memref<8x2048xf32, #tpu.memory_space<hbm>>
    tpu.wait_dma2 semaphore(%arg16 : memref<!tpu.dma_semaphore, #tpu.memory_space<semaphore_mem>>) src(%arg10 : memref<8x2048xf32, #tpu.memory_space<vmem>>) dst(%dma_wait3A_82 : memref<8x2048xf32, #tpu.memory_space<hbm>>)
    %add3A_83 = arith.constant 496 : i32
    %add3A_84 = arith.addi %mul3A_32, %add3A_83 : i32
    %dma_wait3A_85 = arith.constant 0 : i32
    %dma_wait3A_86 = tpu.memref_slice %arg4[%select_n3A, %add3A_84, %dma_wait3A_85] : memref<4x4096x2048xf32, #tpu.memory_space<hbm>> -> memref<1x8x2048xf32, #tpu.memory_space<hbm>>
    %dma_wait3A_87 = tpu.memref_squeeze %dma_wait3A_86 : memref<1x8x2048xf32, #tpu.memory_space<hbm>> -> memref<8x2048xf32, #tpu.memory_space<hbm>>
    %dma_wait3A_88 = arith.constant 0 : i32
    %dma_wait3A_89 = tpu.memref_slice %arg4[%select_n3A, %add3A_84, %dma_wait3A_88] : memref<4x4096x2048xf32, #tpu.memory_space<hbm>> -> memref<1x8x2048xf32, #tpu.memory_space<hbm>>
    %dma_wait3A_90 = tpu.memref_squeeze %dma_wait3A_89 : memref<1x8x2048xf32, #tpu.memory_space<hbm>> -> memref<8x2048xf32, #tpu.memory_space<hbm>>
    tpu.wait_dma2 semaphore(%arg17 : memref<!tpu.dma_semaphore, #tpu.memory_space<semaphore_mem>>) src(%arg11 : memref<8x2048xf32, #tpu.memory_space<vmem>>) dst(%dma_wait3A_90 : memref<8x2048xf32, #tpu.memory_space<hbm>>)
    %add3A_91 = arith.constant 504 : i32
    %add3A_92 = arith.addi %mul3A_32, %add3A_91 : i32
    %dma_wait3A_93 = arith.constant 0 : i32
    %dma_wait3A_94 = tpu.memref_slice %arg4[%select_n3A, %add3A_92, %dma_wait3A_93] : memref<4x4096x2048xf32, #tpu.memory_space<hbm>> -> memref<1x8x2048xf32, #tpu.memory_space<hbm>>
    %dma_wait3A_95 = tpu.memref_squeeze %dma_wait3A_94 : memref<1x8x2048xf32, #tpu.memory_space<hbm>> -> memref<8x2048xf32, #tpu.memory_space<hbm>>
    %dma_wait3A_96 = arith.constant 0 : i32
    %dma_wait3A_97 = tpu.memref_slice %arg4[%select_n3A, %add3A_92, %dma_wait3A_96] : memref<4x4096x2048xf32, #tpu.memory_space<hbm>> -> memref<1x8x2048xf32, #tpu.memory_space<hbm>>
    %dma_wait3A_98 = tpu.memref_squeeze %dma_wait3A_97 : memref<1x8x2048xf32, #tpu.memory_space<hbm>> -> memref<8x2048xf32, #tpu.memory_space<hbm>>
    tpu.wait_dma2 semaphore(%arg15 : memref<!tpu.dma_semaphore, #tpu.memory_space<semaphore_mem>>) src(%arg9 : memref<8x2048xf32, #tpu.memory_space<vmem>>) dst(%dma_wait3A_98 : memref<8x2048xf32, #tpu.memory_space<hbm>>)
    return
  }
}

</mosaic_0001>

<sc_bundles>
// kernel: kernel.3.cloned.1.call-start
scs
__scs_entry_jumppad:
0x0: {  	(pc) =	sbr.rel $0x88, $3  }
0x1: {  	(tag) =	ssettag $0x0;
	lr =	simm.s32 $0x1  }
0x2: {  	[smem:$0x3F9F] =	sst lr;
	_ =	strace $0xD0000000  }
0x3: {  	_ = 	snop  }
0x4: {  	_ = 	snop  }
0x5: {  	_ = 	snop  }
0x6: {  	_ = 	snop  }
0x7: {  	_ = 	snop  }
__scs_overlays_trampoline_lowered:
0x8: {  	[smem:$0x3FAE] =	sst s0  }
0x9: {  	[smem:$0x3FAF] =	sst s1  }
0xa: {  	[smem:$0x3FB0] =	sst s2  }
0xb: {  	[smem:$0x3FB1] =	sst s3  }
0xc: {  	[smem:$0x3FB2] =	sst s4  }
0xd: {  	[smem:$0x3FB3] =	sst s5  }
0xe: {  	[smem:$0x3FB4] =	sst s6  }
0xf: {  	[smem:$0x3FB5] =	sst s7  }
0x10: {  	[smem:$0x3FB6] =	sst s8  }
0x11: {  	[smem:$0x3FB7] =	sst s9;
	s0 =	simm.s32 @!p0 $0x0  }
0x12: {  	s1 =	sld [smem:$0x3F9D];
	s0 =	simm.s32 @p0 $0x1  }
0x13: {  	[smem:$0x3FB8] =	sst s0;
	s0 =	simm.s32 @!p1 $0x0  }
0x14: {  	s2 =	sld [smem:$0x3F9C];
	s0 =	simm.s32 @p1 $0x1  }
0x15: {  	[smem:$0x3FB9] =	sst s0;
	s0 =	simm.s32 @!p2 $0x0  }
0x16: {  	s3 =	sld [smem:$0x3FDB];
	s0 =	simm.s32 @p2 $0x1  }
0x17: {  	s4 =	simm.s32 $0x1BF5;
	[smem:$0x3FBB] =	sst s0  }
0x18: {  	s0 =	sld [smem:$0x3F9E];
	_ =	swait.ge [sflag:s4], $0x0  }
0x19: {  	s7 =	sld [smem:$0x3F9F]  }
0x1a: {  	s8 =	sadd.s32 $0xFFFFE003, lr  }
0x1b: {  	s9 =	sadd.s32 $0xFFFFFEF7, lr;
	s5 =	simm.s32 $0xFFFFFFFF;
	p2 =	slt.u32 s8, $0xFFFFF086  }
0x1c: {  	p1 =	slt.u32 s9, $0xF7A;
	s5 =	simm.s32 @!p2 $0x0  }
0x1d: {  	s5 =	simm.s32 @p1 $0x1;
	p0 =	seq.s32 s7, s2  }
0x1e: {  	s7 =	smul.u32 @!p0 $0xF7A, s2;
	p2 =	seq.s32 @!p0 s5, $0x0  }
0x1f: {  	s9 =	smul.u32 $0xF7A, s1;
	s8 =	simm.s32 @!p0 $0x1BF5;
	p2 =	por !p2, p0  }
0x20: {  	[sflag:s8] =	ssyncset.s32 @!p0 $0xFFFFF086;
	s6 =	sadd.s32 @!p0 s3, s7;
	s7 =	simm.s32 @!p0 $0x108  }
0x21: {  	s3 =	sadd.s32 s3, s9;
	s6 =	sadd.s32 @!p0 $0x88, s6;
	s7 =	simm.s32 @p2 $0x1082  }
0x22: {  	[simem:s7], [sflag:s8] =	dma.local @!p0 [hbm:s6], $0xF7A  }
0x23: {  	s9 =	sor.u32 $0xD0000000, s2;
	s6 =	simm.s32 $0x108;
	_ =	swait.ge @!p0 [sflag:s8], $0x0  }
0x24: {  	s3 =	sadd.s32 $0x88, s3;
	s6 =	simm.s32 @!p1 $0x1082;
	[sflag:s4] =	ssyncset.s32 $0xFFFFF086  }
0x25: {  	[simem:s6], [sflag:s4] =	dma.local [hbm:s3], $0xF7A  }
0x26: {  	[smem:$0x3F9F] =	sst s1;
	(tag) =	ssettag s2;
	_ =	strace s9  }
0x27: {  	s1 =	sld [smem:$0x3FAF]  }
0x28: {  	s2 =	sld [smem:$0x3FB0]  }
0x29: {  	s4 =	sld [smem:$0x3FB2]  }
0x2a: {  	p0 =	seq.s32 s5, $0x0;
	s5 =	sld [smem:$0x3FB3]  }
0x2b: {  	s6 =	sld [smem:$0x3FB4]  }
0x2c: {  	s7 =	sld [smem:$0x3FB5]  }
0x2d: {  	s3 =	simm.s32 $0x108;
	s8 =	sld [smem:$0x3FB6]  }
0x2e: {  	s3 =	simm.s32 @!p0 $0x1082;
	s9 =	sld [smem:$0x3FB7]  }
0x2f: {  	lr =	sadd.s32 s0, s3;
	s0 =	sld [smem:$0x3FAE]  }
0x30: {  	s3 =	sld [smem:$0x3FB1]  }
0x31: {  	[smem:$0x3FBA] =	sst s10  }
0x32: {  	s10 =	sld [smem:$0x3FB8];
	_ =	sdelay $0x3  }
0x33: {  	p0 =	seq.s32 s10, $0x1;
	s10 =	sld [smem:$0x3FBA];
	_ =	sdelay $0x3  }
0x34: {  	[smem:$0x3FBA] =	sst s10  }
0x35: {  	s10 =	sld [smem:$0x3FB9];
	_ =	sdelay $0x3  }
0x36: {  	p1 =	seq.s32 s10, $0x1;
	s10 =	sld [smem:$0x3FBA];
	_ =	sdelay $0x3  }
0x37: {  	[smem:$0x3FBA] =	sst s10  }
0x38: {  	s10 =	sld [smem:$0x3FBB]  }
0x39: {  	_ = 	snop;
	(pc) =	sbr.ind lr, $3  }
0x3a: {  	_ = 	snop  }
0x3b: {  	_ = 	snop  }
0x3c: {  	p2 =	seq.s32 s10, $0x1;
	s10 =	sld [smem:$0x3FBA]  }
0x3d: {  	_ =	shalt  }
0x3e: {  	_ =	shalt  }
0x3f: {  	_ =	shalt  }
0x40: {  	_ =	shalt  }
0x41: {  	_ =	shalt  }
0x42: {  	_ =	shalt  }
0x43: {  	_ =	shalt  }
0x44: {  	_ =	shalt  }
0x45: {  	_ =	shalt  }
0x46: {  	_ =	shalt  }
0x47: {  	_ =	shalt  }
0x48: {  	_ =	shalt  }
0x49: {  	_ =	shalt  }
0x4a: {  	_ =	shalt  }
0x4b: {  	_ =	shalt  }
0x4c: {  	_ =	shalt  }
0x4d: {  	_ =	shalt  }
0x4e: {  	_ =	shalt  }
0x4f: {  	_ =	shalt  }
0x50: {  	_ =	shalt  }
0x51: {  	_ =	shalt  }
0x52: {  	_ =	shalt  }
0x53: {  	_ =	shalt  }
0x54: {  	_ =	shalt  }
0x55: {  	_ =	shalt  }
0x56: {  	_ =	shalt  }
0x57: {  	_ =	shalt  }
0x58: {  	_ =	shalt  }
0x59: {  	_ =	shalt  }
0x5a: {  	_ =	shalt  }
0x5b: {  	_ =	shalt  }
0x5c: {  	_ =	shalt  }
0x5d: {  	_ =	shalt  }
0x5e: {  	_ =	shalt  }
0x5f: {  	_ =	shalt  }
0x60: {  	_ =	shalt  }
0x61: {  	_ =	shalt  }
0x62: {  	_ =	shalt  }
0x63: {  	_ =	shalt  }
0x64: {  	_ =	shalt  }
0x65: {  	_ =	shalt  }
0x66: {  	_ =	shalt  }
0x67: {  	_ =	shalt  }
0x68: {  	_ =	shalt  }
0x69: {  	_ =	shalt  }
0x6a: {  	_ =	shalt  }
0x6b: {  	_ =	shalt  }
0x6c: {  	_ =	shalt  }
0x6d: {  	_ =	shalt  }
0x6e: {  	_ =	shalt  }
0x6f: {  	_ =	shalt  }
0x70: {  	_ =	shalt  }
0x71: {  	_ =	shalt  }
0x72: {  	_ =	shalt  }
0x73: {  	_ =	shalt  }
0x74: {  	_ =	shalt  }
0x75: {  	_ =	shalt  }
0x76: {  	_ =	shalt  }
0x77: {  	_ =	shalt  }
0x78: {  	_ =	shalt  }
0x79: {  	_ =	shalt  }
0x7a: {  	_ =	shalt  }
0x7b: {  	_ =	shalt  }
0x7c: {  	_ =	shalt  }
0x7d: {  	_ =	shalt  }
0x7e: {  	_ =	shalt  }
0x7f: {  	_ =	shalt  }
0x80: {  	_ =	shalt  }
0x81: {  	_ =	shalt  }
0x82: {  	_ =	shalt  }
0x83: {  	_ =	shalt  }
0x84: {  	_ =	shalt  }
0x85: {  	_ =	shalt  }
0x86: {  	_ =	shalt  }
0x87: {  	_ =	shalt  }
.Lfunc_end0:
.L_simem_size_0:
called_computation_lowered:
.L_overlay_start_0:
0x88: {  	s2 =	sld [smem:$0x3FD9]  }
0x89: {  	s3 =	sld [smem:$0x3FFE];
	_ =	sdelay $0x1  }
0x8a: {  	s1 =	srdreg.scid  }
0x8b: {  	s0 =	sand.u32 $0x1, s1  }
0x8c: {  	s18 =	sshll.u32 s0, $0xA;
	s2 =	sadd.s32 s3, s2  }
0x8d: {  	s2 =	sadd.s32 s2, s18  }
0x8e: {  	[smem:$0x3FC6] =	sst s2  }
0x8f: {  	_ = 	snop  }
0x90: {  	s2 =	sld [smem:$0x3FC9]  }
0x91: {  	s19 =	sld [smem:$0x3FC8]  }
0x92: {  	s4 =	sld [smem:$0x3FD0];
	(tm) =	ssettm $0x1  }
0x93: {  	s5 =	sld [smem:$0x3FFB];
	_ =	sdelay $0x3  }
0x94: {  	_ =	strace s5  }
0x95: {  	s5 =	sld [smem:$0x3FFC];
	_ =	sdelay $0x3  }
0x96: {  	_ =	strace s5  }
0x97: {  	s5 =	sld [smem:$0x3FFD];
	_ =	sdelay $0x3  }
0x98: {  	_ =	strace s5  }
0x99: {  	_ =	strace $0x8FFFFFFF  }
0x9a: {  	s20 =	sld [smem:$0x3FDB];
	_ =	sdelay $0x1  }
0x9b: {  	s6 =	simm.s32 $_scs_section_size  }
0x9c: {  	s7 =	simm.s32 $_size__tile_overlayer_lowered;
	s8 =	simm.s32 $_tile_overlayer_lowered  }
0x9d: {  	s23 =	simm.s32 $0x1BFF;
	s22 =	sshll.u32 s8, $0x1;
	s5 =	sadd.s32 s6, s20  }
0x9e: {  	s9 =	simm.s32 $0x0;
	s21 =	sshll.u32 s7, $0x1;
	s7 =	sadd.s32 s22, s5  }
0x9f: {  	[timem:s9], [sflag:s23] =	dma.local [hbm:s7], s21  }
0xa0: {  	_ =	swait.ge [sflag:s23], s21  }
0xa1: {  	s6 =	ssub.s32 $0x0, s21;
	[sflag:s23] =	ssyncset.done $0x0  }
0xa2: {  	[sflag:s23] =	ssyncadd.s32 s6;
	_ =	sdelay $0x1  }
0xa3: {  	s24 =	simm.s32 $0x1B8B  }
0xa4: {  	_ =	swait.ge [sflag:s24], $0x1  }
0xa5: {  	[sflag:s24] =	ssyncset.done $0x0  }
0xa6: {  	s25 =	simm.s32 $0x1B8E;
	[sflag:s24] =	ssyncadd.s32 $0xFFFFFFFF  }
0xa7: {  	s26 =	simm.s32 $execute0_lowered;
	[smem:$0x3FD2] =	sst s25  }
0xa8: {  	s6 =	sshll.u32 s26, $0x1;
	_ =	strace $0x80000046;
	[dreg:$0x1] =	wrdreg $0xFFFFFFFF  }
0xa9: {  	s28 =	simm.s32 $_size_execute0_lowered;
	s5 =	sadd.s32 s5, s6;
	[dreg:$0x0] =	wrdreg $0x0  }
0xaa: {  	s6 =	sshll.u32 s28, $0x1;
	[dreg:$0x2] =	wrdreg s5  }
0xab: {  	[dreg:$0x3] =	wrdreg s6  }
0xac: {  	[dreg:$0x4] =	wrdreg $0xC0  }
0xad: {  	_ =	task [dreg:s9], $0x5FFFF  }
0xae: {  	[dreg:$0x1] =	wrdreg $0xFFFFFFFF  }
0xaf: {  	[dreg:$0x0] =	wrdreg $0x60  }
0xb0: {  	[dreg:$0x2] =	wrdreg s2  }
0xb1: {  	[dreg:$0x3] =	wrdreg s19  }
0xb2: {  	[dreg:$0x4] =	wrdreg s4  }
0xb3: {  	[dreg:$0x5] =	wrdreg $0x9  }
0xb4: {  	_ =	task.clear_ibuf [dreg:s9], $0x6FFFF;
	_ =	strace $0x90000046  }
0xb5: {  	s29 =	simm.s32 $0x9;
	_ =	strace $0x80000048  }
0xb6: {  	_ =	swait.ge [sflag:s29], $0x1  }
0xb7: {  	[sflag:s29] =	ssyncadd.s32 $0xFFFFFFFF  }
0xb8: {  	_ =	strace $0x90000048  }
0xb9: {  	_ =	sfence  }
0xba: {  	s30 =	sld [smem:$0x0];
	_ =	sdelay $0x2  }
0xbb: {  	s31 =	sshll.u32 s1, $0xD;
	s1 =	sshrl.u32 s1, $0x2  }
0xbc: {  	s3 =	sand.u32 $0x4000, s31;
	s1 =	sadd.s32 s1, s30  }
0xbd: {  	s0 =	sor.u32 s3, s0;
	s1 =	sshll.u32 s1, $0x11  }
0xbe: {  	s0 =	sor.u32 s1, s0  }
0xbf: {  	s0 =	sadd.s32 $0x8F2B, s0  }
0xc0: {  	[sflag:s0] =	ssyncadd.remote.s32 $0x1  }
0xc1: {  	_ =	sfence.sel $0xFFFF  }
0xc2: {  	[dreg:$0x0] =	wrdreg $0xFFFFFFFF;
	(pc) =	sbr.abs _section_cstart, $3  }
0xc3: {  	[dreg:$0x1] =	wrdreg $0xFFFFFFFF  }
0xc4: {  	_ =	task.clear_ibuf [dreg:s9], $0x2FFFF;
	_ =	strace $0x9FFFFFFF  }
0xc5: {  	(tm) =	ssettm $0x7FFFFFFF  }
tec
execute0_lowered:
.L_overlay_start_1:
0x0: {  	(tag) =	ssettag $0x1  }
0x1: {  	s2 =	stileid.u32  }
0x2: {  	s0 =	srdreg.scid;
	s1 =	sshll.u32 s2, $0x1  }
0x3: {  	s0 =	sand.u32 $0x1, s0;
	s1 =	sand.u32 $0x6, s1  }
0x4: {  	s3 =	rddreg [dreg:$0x0];
	s2 =	sshll.u32 s2, $0x15;
	s1 =	sor.u32 s0, s1  }
0x5: {  	s6 =	simm.s32 $0x0;
	s2 =	sand.u32 $0x1800000, s2;
	s1 =	sshll.u32 s1, $0x14  }
0x6: {  	[smem:$0x7FF] =	sst s6;
	s4 =	sor.u32 s2, s1  }
0x7: {  	_ =	strace $0x80000047;
	s26 =	sor.u32 $0xC000, s4;
	[dreg:$0x4] =	wrdreg s4  }
0x8: {  	s0 =	ssub.s32 $0x2, s0;
	s28 =	sor.u32 $0x4000, s4;
	[dreg:$0x8] =	wrdreg s26  }
0x9: {  	s24 =	sshrl.u32 s0, $0x1;
	s29 =	sor.u32 $0x10000, s4;
	[dreg:$0x9] =	wrdreg s28  }
0xa: {  	s0 =	ssub.s32 s0, s24;
	s30 =	sor.u32 $0x8000, s4;
	[dreg:$0xa] =	wrdreg s29  }
0xb: {  	s1 =	sshrl.u32 s4, $0x3;
	s31 =	sor.u32 $0x14000, s4;
	[dreg:$0xb] =	wrdreg s30  }
.Ltmp0:
0xc: {  	s0 =	smax.u32 s0, $0x1;
	[dreg:$0xc] =	wrdreg s31;
	(pc) =	sbr.rel .LBB2_1-.Ltmp0, $4  }
0xd: {  	s17 =	simm.s32 $0x800;
	s1 =	sadd.s32 s3, s1;
	[dreg:$0xd] =	wrdreg s0  }
0xe: {  	s18 =	simm.s32 $0x4800;
	s25 =	sadd.s32 $0x800, s1;
	[dreg:$0x5] =	wrdreg s1  }
0xf: {  	s19 =	simm.s32 $0x8800;
	s1 =	sadd.s32 $0x1000, s1;
	[dreg:$0x6] =	wrdreg s25  }
0x10: {  	s20 =	simm.s32 $0x1;
	s2 =	simm.s32 $0x0;
	[dreg:$0x7] =	wrdreg s1  }
.LBB2_10:
0x11: {  	s0 =	simm.s32 $0x5  }
0x12: {  	_ =	swait.ge [sflag:s0], $0x4000  }
0x13: {  	[sflag:s0] =	ssyncset.done $0x0  }
0x14: {  	s30 =	simm.s32 $0x6;
	[sflag:s0] =	ssyncadd.s32 $0xFFFFC000  }
0x15: {  	_ =	swait.ge [sflag:s30], $0x4000  }
0x16: {  	[sflag:s30] =	ssyncset.done $0x0  }
0x17: {  	s1 =	simm.s32 $0x4;
	[sflag:s30] =	ssyncadd.s32 $0xFFFFC000  }
0x18: {  	_ =	swait.ge [sflag:s1], $0x4000  }
0x19: {  	s2 =	rddreg [dreg:$0xe]  }
0x1a: {  	s31 =	rddreg [dreg:$0xd];
	s2 =	sadd.s32 $0x1, s2  }
0x1b: {  	p0 =	sne.s32 s2, s31  }
.Ltmp1:
0x1c: {  	_ = 	snop;
	(pc) =	sbr.rel @!p0 .LBB2_11-.Ltmp1, $3  }
0x1d: {  	_ =	sdelay $0x1  }
0x1e: {  	[sflag:s1] =	ssyncset.done $0x0  }
0x1f: {  	[sflag:s1] =	ssyncadd.s32 $0xFFFFC000  }
.LBB2_1:
0x20: {  	[dreg:$0xe] =	wrdreg s2  }
0x21: {  	s0 =	rddreg [dreg:$0x1];
	s26 =	simm.s32 $0x7  }
0x22: {  	[tilespmem:s6], [sflag:$0x7] =	stream.linear.gather [hbm4b:s0+s6], $0x800, $0x38;
	[tilespmem:$0x18800] =	vst v63  }
0x23: {  	_ =	swait.ge [sflag:s26], $0x800  }
0x24: {  	[sflag:s26] =	ssyncset.done $0x0  }
0x25: {  	s28 =	rddreg [dreg:$0x5];
	[sflag:s26] =	ssyncadd.s32 $0xFFFFF800  }
0x26: {  	[tilespmem:s17], [sflag:$0x1] =	stream.linear.gather [hbm4b:s28+s6], $0x4000, $0x38;
	[tilespmem:$0x18800] =	vst v63  }
0x27: {  	s29 =	rddreg [dreg:$0x6]  }
0x28: {  	[tilespmem:s18], [sflag:$0x2] =	stream.linear.gather [hbm4b:s29+s6], $0x4000, $0x38;
	[tilespmem:$0x18800] =	vst v63  }
0x29: {  	s31 =	simm.s32 $0x0;
	s30 =	rddreg [dreg:$0x7]  }
0x2a: {  	[tilespmem:s19], [sflag:$0x3] =	stream.linear.gather [hbm4b:s30+s6], $0x4000, $0x38;
	[tilespmem:$0x18800] =	vst v63  }
.LBB2_2:
0x2b: {  	s0 =	smul.u32 $0x3, s31;
	_ =	sdelay $0x1  }
0x2c: {  	s1 =	sadd.s32 $0xFFFFFFFD, s0  }
0x2d: {  	p0 =	sgt.u32 s1, $0x3C  }
0x2e: {  	s1 =	simm.s32 @!p0 $0x4  }
0x2f: {  	_ =	swait.ge @!p0 [sflag:s1], $0x4000  }
0x30: {  	[sflag:s1] =	ssyncset.done @!p0 $0x0  }
0x31: {  	s12 =	simm.s32 $0x0;
	[sflag:s1] =	ssyncadd.s32 @!p0 $0xFFFFC000  }
0x32: {  	s2 =	sand.u32 $0x40, s12;
	_ =	swait.ge [sflag:s20], $0x4000  }
0x33: {  	s3 =	sand.u32 $0x780, s12;
	s4 =	sor.u32 $0x30, s2;
	[sflag:s20] =	ssyncset.done $0x0  }
0x34: {  	s5 =	sor.u32 s4, s3;
	[sflag:s20] =	ssyncadd.s32 $0xFFFFC000  }
0x35: {  	v0 =	vld [tilespmem:s5+$0x0]  }
0x36: {  	s13 =	sor.u32 $0x10, s2;
	v1 =	vld [tilespmem:s12+$0x0]  }
0x37: {  	s7 =	sor.u32 $0x20, s2;
	s8 =	sor.u32 s13, s3  }
0x38: {  	s3 =	sor.u32 s7, s3;
	v2 =	vld [tilespmem:s8+$0x0]  }
0x39: {  	v3 =	vld [tilespmem:s3+$0x0]  }
0x3a: {  	v4 =	vshll.u32 v0, $0x3  }
0x3b: {  	v5 =	vshll.u32 v1, $0x3;
	v0 =	vand.u32 $0x7F, v0;
	v4 =	vand.u32 $0xFFFFFC00, v4  }
0x3c: {  	v1 =	vand.u32 $0x7F, v1;
	v6 =	vand.u32 $0xFFFFFC00, v5;
	v5 =	vor.u32 v0, v4  }
0x3d: {  	v0 =	vor.u32 v1, v6;
	v1 =	vshll.u32 v2, $0x3  }
0x3e: {  	v4 =	vshll.u32 v3, $0x3;
	v2 =	vand.u32 $0x7F, v2;
	v1 =	vand.u32 $0xFFFFFC00, v1  }
0x3f: {  	v6 =	vand.u32 $0xFFFFFC00, v4;
	v4 =	vor.u32 v2, v1;
	v1 =	vand.u32 $0x7F, v3  }
0x40: {  	v3 =	vor.u32 v1, v6  }
0x41: {  	v1 =	vld.idx.msk [tilespmem:v5+s17+$0x0], $0xffff  }
0x42: {  	v6 =	vor.u32 $0x80, v5;
	v2 =	vld.idx.msk [tilespmem:v0+s17+$0x0], $0xffff  }
0x43: {  	s1 =	sand.u32 $0x3C00, s12;
	v7 =	vor.u32 $0x80, v0  }
0x44: {  	s1 =	sadd.s32 $0xC800, s1;
	v8 =	vld.idx.msk [tilespmem:v4+s17+$0x0], $0xffff  }
0x45: {  	s14 =	sor.u32 s4, s1;
	v9 =	vor.u32 $0x80, v4;
	v10 =	vld.idx.msk [tilespmem:v3+s17+$0x0], $0xffff  }
0x46: {  	s15 =	sor.u32 s2, s1;
	v11 =	vor.u32 $0x80, v3;
	[tilespmem:s14+$0x0] =	vst v1  }
0x47: {  	[tilespmem:s15+$0x0] =	vst v2;
	v1 =	vld.idx.msk [tilespmem:v6+s17+$0x0], $0xffff  }
0x48: {  	s5 =	sor.u32 s13, s1;
	v2 =	vld.idx.msk [tilespmem:v7+s17+$0x0], $0xffff;
	v6 =	vor.u32 $0x100, v5  }
0x49: {  	s16 =	sor.u32 s7, s1;
	v7 =	vor.u32 $0x100, v0;
	[tilespmem:s5+$0x0] =	vst v8  }
0x4a: {  	v8 =	vld.idx.msk [tilespmem:v9+s17+$0x0], $0xffff;
	[tilespmem:s16+$0x0] =	vst v10  }
0x4b: {  	v9 =	vor.u32 $0x100, v4;
	v10 =	vld.idx.msk [tilespmem:v11+s17+$0x0], $0xffff  }
0x4c: {  	v11 =	vor.u32 $0x100, v3;
	[tilespmem:s14+$0x80] =	vst v1  }
0x4d: {  	[tilespmem:s15+$0x80] =	vst v2;
	v1 =	vld.idx.msk [tilespmem:v6+s17+$0x0], $0xffff  }
0x4e: {  	v2 =	vld.idx.msk [tilespmem:v7+s17+$0x0], $0xffff;
	v6 =	vor.u32 $0x180, v5  }
0x4f: {  	v7 =	vor.u32 $0x180, v0;
	[tilespmem:s5+$0x80] =	vst v8  }
0x50: {  	v8 =	vld.idx.msk [tilespmem:v9+s17+$0x0], $0xffff;
	[tilespmem:s16+$0x80] =	vst v10  }
0x51: {  	s2 =	simm.s32 $0x40;
	v9 =	vor.u32 $0x180, v4;
	v10 =	vld.idx.msk [tilespmem:v11+s17+$0x0], $0xffff  }
0x52: {  	s21 =	sand.u32 $0x40, s2;
	v11 =	vld [tilespmem:s2+$0x0];
	[tilespmem:s14+$0x100] =	vst v1  }
0x53: {  	s10 =	sand.u32 $0x780, s2;
	s11 =	sor.u32 $0x30, s21;
	[tilespmem:s15+$0x100] =	vst v2;
	v1 =	vld.idx.msk [tilespmem:v6+s17+$0x0], $0xffff  }
0x54: {  	s9 =	sor.u32 s11, s10;
	v2 =	vor.u32 $0x180, v3;
	v6 =	vld.idx.msk [tilespmem:v7+s17+$0x0], $0xffff  }
0x55: {  	s22 =	sor.u32 $0x10, s21;
	v7 =	vor.u32 $0x200, v5;
	[tilespmem:s5+$0x100] =	vst v8;
	v8 =	vld [tilespmem:s9+$0x0]  }
0x56: {  	s23 =	sor.u32 $0x20, s21;
	s12 =	sor.u32 s22, s10;
	v9 =	vld.idx.msk [tilespmem:v9+s17+$0x0], $0xffff  }
0x57: {  	s10 =	sor.u32 s23, s10;
	v13 =	vld [tilespmem:s12+$0x0];
	v12 =	vor.u32 $0x200, v4;
	v14 =	vshll.u32 v11, $0x3  }
0x58: {  	v15 =	vld [tilespmem:s10+$0x0];
	[tilespmem:s16+$0x100] =	vst v10;
	v10 =	vor.u32 $0x200, v0;
	v11 =	vand.u32 $0x7F, v11;
	v14 =	vand.u32 $0xFFFFFC00, v14  }
0x59: {  	p0 =	por $0x0, $0x0;
	s8 =	simm.s32 $0x1;
	v16 =	vld.idx.msk [tilespmem:v2+s17+$0x0], $0xffff;
	[tilespmem:s14+$0x180] =	vst v1;
	v1 =	vor.u32 v11, v14  }
0x5a: {  	s8 =	simm.s32 @!p0 $0x0;
	v11 =	vor.u32 $0x200, v3;
	v7 =	vld.idx.msk [tilespmem:v7+s17+$0x0], $0xffff;
	v2 =	vshll.u32 v8, $0x3  }
0x5b: {  	s24 =	sshll.u32 s8, $0x6;
	v8 =	vand.u32 $0x7F, v8;
	[tilespmem:s5+$0x180] =	vst v9;
	v2 =	vand.u32 $0xFFFFFC00, v2;
	v9 =	vor.u32 $0x280, v5  }
0x5c: {  	s8 =	sadd.s32 $0x0, s24;
	v14 =	vor.u32 $0x280, v4;
	[tilespmem:s15+$0x180] =	vst v6;
	v6 =	vld.idx.msk [tilespmem:v12+s17+$0x0], $0xffff;
	v12 =	vshll.u32 v13, $0x3;
	v2 =	vor.u32 v8, v2  }
0x5d: {  	s5 =	sadd.s32 $0x30, s8;
	v8 =	vld.idx.msk [tilespmem:v10+s17+$0x0], $0xffff;
	v10 =	vshll.u32 v15, $0x3;
	v13 =	vand.u32 $0x7F, v13;
	v12 =	vand.u32 $0xFFFFFC00, v12  }
0x5e: {  	s25 =	sor.u32 $0x200, s5;
	v10 =	vand.u32 $0xFFFFFC00, v10;
	[tilespmem:s16+$0x180] =	vst v16;
	v17 =	vld.idx.msk [tilespmem:v1+s17+$0x0], $0xffff;
	v21 =	vor.u32 v13, v12;
	v12 =	vand.u32 $0x7F, v15  }
0x5f: {  	s10 =	sadd.s32 $0x10, s8;
	v11 =	vld.idx.msk [tilespmem:v11+s17+$0x0], $0xffff;
	v10 =	vor.u32 v12, v10;
	[tilespmem:s25+$0xC800] =	vst v7  }
0x60: {  	s26 =	sor.u32 $0x200, s10;
	v7 =	vor.u32 $0x280, v0;
	v9 =	vld.idx.msk [tilespmem:v9+s17+$0x0], $0xffff  }
0x61: {  	s3 =	simm.s32 $0x200;
	s28 =	sor.u32 $0x200, s8;
	v12 =	vor.u32 $0x280, v3;
	v13 =	vld.idx.msk [tilespmem:v2+s17+$0x0], $0xffff;
	[tilespmem:s26+$0xC800] =	vst v6  }
0x62: {  	s12 =	sadd.s32 $0x20, s8;
	s14 =	sand.u32 $0x3C00, s3;
	[tilespmem:s28+$0xC800] =	vst v8;
	v8 =	vor.u32 $0x80, v1;
	v6 =	vld.idx.msk [tilespmem:v14+s17+$0x0], $0xffff  }
0x63: {  	s13 =	sor.u32 $0x200, s12;
	s4 =	sadd.s32 $0xC800, s14;
	v14 =	vor.u32 $0x300, v5;
	v15 =	vld.idx.msk [tilespmem:v21+s17+$0x0], $0xffff  }
0x64: {  	s24 =	sor.u32 s21, s4;
	v16 =	vor.u32 $0x80, v2;
	[tilespmem:s13+$0xC800] =	vst v11;
	v18 =	vld.idx.msk [tilespmem:v10+s17+$0x0], $0xffff  }
0x65: {  	s15 =	sor.u32 $0x280, s5;
	v19 =	vor.u32 $0x80, v21;
	[tilespmem:s24+$0x0] =	vst v17;
	v22 =	vld.idx.msk [tilespmem:v7+s17+$0x0], $0xffff  }
0x66: {  	s29 =	sor.u32 s11, s4;
	v7 =	vor.u32 $0x80, v10;
	v11 =	vld.idx.msk [tilespmem:v12+s17+$0x0], $0xffff;
	[tilespmem:s15+$0xC800] =	vst v9  }
0x67: {  	s16 =	sor.u32 $0x280, s10;
	v9 =	vor.u32 $0x300, v4;
	[tilespmem:s29+$0x0] =	vst v13;
	v8 =	vld.idx.msk [tilespmem:v8+s17+$0x0], $0xffff  }
0x68: {  	s26 =	sor.u32 s22, s4;
	v13 =	vor.u32 $0x300, v3;
	v12 =	vld.idx.msk [tilespmem:v14+s17+$0x0], $0xffff;
	[tilespmem:s16+$0xC800] =	vst v6  }
0x69: {  	s7 =	sor.u32 s23, s4;
	v5 =	vor.u32 $0x380, v5;
	v16 =	vld.idx.msk [tilespmem:v16+s17+$0x0], $0xffff;
	[tilespmem:s26+$0x0] =	vst v15  }
0x6a: {  	s21 =	sor.u32 $0x280, s12;
	v17 =	vor.u32 $0x100, v2;
	v15 =	vld.idx.msk [tilespmem:v19+s17+$0x0], $0xffff;
	[tilespmem:s7+$0x0] =	vst v18  }
0x6b: {  	s23 =	sor.u32 $0x280, s8;
	v18 =	vor.u32 $0x100, v1;
	[tilespmem:s21+$0xC800] =	vst v11;
	v7 =	vld.idx.msk [tilespmem:v7+s17+$0x0], $0xffff  }
0x6c: {  	s22 =	sor.u32 $0x300, s5;
	v6 =	vor.u32 $0x100, v21;
	[tilespmem:s23+$0xC800] =	vst v22;
	v23 =	vld.idx.msk [tilespmem:v9+s17+$0x0], $0xffff  }
0x6d: {  	v20 =	vor.u32 $0x100, v10;
	v14 =	vld.idx.msk [tilespmem:v13+s17+$0x0], $0xffff;
	[tilespmem:s22+$0xC800] =	vst v12  }
0x6e: {  	[tilespmem:s29+$0x80] =	vst v16;
	v16 =	vor.u32 $0x300, v0;
	v24 =	vld.idx.msk [tilespmem:v5+s17+$0x0], $0xffff  }
0x6f: {  	v25 =	vor.u32 $0x380, v4;
	[tilespmem:s24+$0x80] =	vst v8;
	v19 =	vld.idx.msk [tilespmem:v17+s17+$0x0], $0xffff  }
0x70: {  	v4 =	vor.u32 $0x380, v21;
	v17 =	vld.idx.msk [tilespmem:v18+s17+$0x0], $0xffff;
	[tilespmem:s26+$0x80] =	vst v15  }
0x71: {  	v11 =	vor.u32 $0x200, v21;
	v22 =	vor.u32 $0x180, v2;
	v13 =	vor.u32 $0x180, v21;
	v18 =	vld.idx.msk [tilespmem:v6+s17+$0x0], $0xffff;
	[tilespmem:s7+$0x80] =	vst v7  }
0x72: {  	s30 =	sor.u32 $0x300, s12;
	s9 =	sor.u32 $0x380, s12;
	s25 =	sor.u32 $0x300, s10;
	v8 =	vor.u32 $0x280, v21;
	v6 =	vor.u32 $0x300, v21;
	v21 =	vor.u32 $0x180, v1;
	v20 =	vld.idx.msk [tilespmem:v20+s17+$0x0], $0xffff  }
0x73: {  	s28 =	sor.u32 $0x380, s5;
	s15 =	simm.s32 $0x4;
	v3 =	vor.u32 $0x380, v3;
	s16 =	simm.s32 $0x80;
	v9 =	vor.u32 $0x200, v10;
	v12 =	vor.u32 $0x180, v10;
	[tilespmem:s25+$0xC800] =	vst v23;
	v15 =	vld.idx.msk [tilespmem:v16+s17+$0x0], $0xffff  }
0x74: {  	s23 =	sor.u32 $0x300, s8;
	s8 =	sor.u32 $0x380, s8;
	s22 =	sor.u32 $0x380, s10;
	v5 =	vor.u32 $0x300, v10;
	v7 =	vor.u32 $0x280, v10;
	v10 =	vor.u32 $0x380, v10;
	v16 =	vld.idx.msk [tilespmem:v25+s17+$0x0], $0xffff;
	[tilespmem:s28+$0xC800] =	vst v24  }
.LBB2_3:
0x75: {  	v23 =	vld [tilespmem:s16+$0x0];
	[tilespmem:s29+$0x100] =	vst v19;
	s2 =	sadd.s32 $0x40, s2  }
0x76: {  	s15 =	sadd.s32 $0x4, s15;
	s21 =	sand.u32 $0x40, s2;
	[tilespmem:s24+$0x100] =	vst v17;
	v17 =	vld.idx.msk [tilespmem:v22+s17+$0x0], $0xffff  }
0x77: {  	s1 =	sand.u32 $0x780, s2;
	p1 =	slt.u32 s15, $0x7C;
	s10 =	sor.u32 $0x30, s21;
	v19 =	vld.idx.msk [tilespmem:v21+s17+$0x0], $0xffff;
	[tilespmem:s26+$0x100] =	vst v18  }
0x78: {  	s12 =	sor.u32 $0x10, s21;
	s11 =	sor.u32 $0x20, s21;
	v18 =	vor.u32 $0x200, v2;
	s4 =	sor.u32 s10, s1;
	v13 =	vld.idx.msk [tilespmem:v13+s17+$0x0], $0xffff;
	[tilespmem:s7+$0x100] =	vst v20  }
0x79: {  	v21 =	vor.u32 $0x200, v1;
	s5 =	sor.u32 s12, s1;
	s1 =	sor.u32 s11, s1;
	v20 =	vld [tilespmem:s4+$0x0];
	[tilespmem:s30+$0xC800] =	vst v14  }
0x7a: {  	v14 =	vld [tilespmem:s5+$0x0];
	[tilespmem:s23+$0xC800] =	vst v15  }
0x7b: {  	v15 =	vshll.u32 v23, $0x3;
	v22 =	vld [tilespmem:s1+$0x0];
	[tilespmem:s22+$0xC800] =	vst v16  }
0x7c: {  	v16 =	vand.u32 $0x7F, v23;
	v15 =	vand.u32 $0xFFFFFC00, v15;
	v12 =	vld.idx.msk [tilespmem:v12+s17+$0x0], $0xffff;
	[tilespmem:s29+$0x180] =	vst v17;
	v17 =	vor.u32 $0x380, v0;
	v0 =	vmovc v1  }
0x7d: {  	p0 =	por !p0, !p0;
	s1 =	simm.s32 $0x1;
	v1 =	vor.u32 v16, v15;
	[tilespmem:s24+$0x180] =	vst v19;
	v15 =	vld.idx.msk [tilespmem:v18+s17+$0x0], $0xffff  }
0x7e: {  	s1 =	simm.s32 @!p0 $0x0;
	v16 =	vshll.u32 v20, $0x3;
	v18 =	vld.idx.msk [tilespmem:v21+s17+$0x0], $0xffff;
	[tilespmem:s26+$0x180] =	vst v13  }
0x7f: {  	s1 =	sshll.u32 s1, $0x6;
	v13 =	vand.u32 $0x7F, v20;
	v16 =	vand.u32 $0xFFFFFC00, v16;
	v19 =	vld.idx.msk [tilespmem:v11+s17+$0x0], $0xffff;
	v11 =	vor.u32 $0x280, v2  }
0x80: {  	s24 =	sadd.s32 s1, s3;
	v20 =	vshll.u32 v14, $0x3;
	v21 =	vshll.u32 v22, $0x3;
	v16 =	vor.u32 v13, v16;
	v23 =	vld.idx.msk [tilespmem:v3+s17+$0x0], $0xffff;
	v3 =	vmovc v10  }
0x81: {  	s22 =	sadd.s32 $0x10, s24;
	s25 =	sadd.s32 $0x20, s24;
	s13 =	sadd.s32 $0x30, s24;
	v10 =	vand.u32 $0x7F, v14;
	v13 =	vand.u32 $0xFFFFFC00, v20;
	v14 =	vand.u32 $0xFFFFFC00, v21;
	v17 =	vld.idx.msk [tilespmem:v17+s17+$0x0], $0xffff  }
0x82: {  	s26 =	sor.u32 $0x200, s22;
	s5 =	sor.u32 $0x200, s13;
	v10 =	vor.u32 v10, v13;
	v13 =	vand.u32 $0x7F, v22;
	v21 =	vor.u32 $0x280, v0;
	v20 =	vld.idx.msk [tilespmem:v1+s17+$0x0], $0xffff;
	[tilespmem:s7+$0x180] =	vst v12;
	s7 =	sor.u32 $0x200, s25  }
0x83: {  	s14 =	sor.u32 $0x200, s24;
	s4 =	sor.u32 $0x280, s22;
	s1 =	sor.u32 $0x280, s25;
	v22 =	vor.u32 $0x80, v10;
	v24 =	vor.u32 $0x100, v10;
	v14 =	vor.u32 v13, v14;
	v25 =	vld.idx.msk [tilespmem:v9+s17+$0x0], $0xffff;
	[tilespmem:s5+$0xC800] =	vst v15  }
0x84: {  	s30 =	sor.u32 $0x300, s25;
	v13 =	vor.u32 $0x180, v10;
	v15 =	vor.u32 $0x80, v14;
	v26 =	vor.u32 $0x100, v14;
	s5 =	sor.u32 $0x280, s24;
	[tilespmem:s14+$0xC800] =	vst v18;
	s14 =	sor.u32 $0x300, s22;
	v18 =	vld.idx.msk [tilespmem:v11+s17+$0x0], $0xffff  }
0x85: {  	s23 =	sor.u32 $0x300, s24;
	s25 =	sor.u32 $0x380, s25;
	v12 =	vor.u32 $0x180, v14;
	v9 =	vor.u32 $0x200, v14;
	v11 =	vor.u32 $0x200, v10;
	s22 =	sor.u32 $0x380, s22;
	v27 =	vld.idx.msk [tilespmem:v16+s17+$0x0], $0xffff;
	[tilespmem:s26+$0xC800] =	vst v19  }
0x86: {  	v29 =	vor.u32 $0x300, v2;
	s24 =	sor.u32 $0x380, s24;
	v19 =	vor.u32 $0x280, v14;
	v28 =	vld.idx.msk [tilespmem:v8+s17+$0x0], $0xffff;
	v8 =	vor.u32 $0x280, v10;
	[tilespmem:s9+$0xC800] =	vst v23;
	s9 =	smov.u32 s25  }
0x87: {  	s3 =	sadd.s32 $0x200, s3;
	v32 =	vor.u32 $0x80, v16;
	v30 =	vor.u32 $0x300, v10;
	v31 =	vor.u32 $0x300, v14;
	v23 =	vld.idx.msk [tilespmem:v10+s17+$0x0], $0xffff;
	[tilespmem:s8+$0xC800] =	vst v17;
	s8 =	smov.u32 s24  }
0x88: {  	v33 =	vor.u32 $0x380, v10;
	s24 =	sand.u32 $0x3C00, s3;
	v17 =	vor.u32 $0x80, v1;
	v10 =	vor.u32 $0x380, v14;
	v34 =	vld.idx.msk [tilespmem:v14+s17+$0x0], $0xffff  }
0x89: {  	s25 =	sadd.s32 $0xC800, s24;
	v35 =	vld.idx.msk [tilespmem:v21+s17+$0x0], $0xffff;
	[tilespmem:s7+$0xC800] =	vst v25;
	s7 =	sor.u32 $0x280, s13  }
0x8a: {  	s24 =	sor.u32 s21, s25;
	s26 =	sor.u32 s12, s25;
	s29 =	sor.u32 s10, s25;
	v14 =	vld.idx.msk [tilespmem:v7+s17+$0x0], $0xffff;
	[tilespmem:s7+$0xC800] =	vst v18;
	v7 =	vmov v19  }
0x8b: {  	s7 =	sor.u32 s11, s25;
	[tilespmem:s29+$0x0] =	vst v27;
	v18 =	vld.idx.msk [tilespmem:v29+s17+$0x0], $0xffff  }
0x8c: {  	[tilespmem:s24+$0x0] =	vst v20;
	v19 =	vld.idx.msk [tilespmem:v32+s17+$0x0], $0xffff  }
0x8d: {  	v20 =	vor.u32 $0x380, v2;
	v2 =	vmov v16;
	v17 =	vld.idx.msk [tilespmem:v17+s17+$0x0], $0xffff;
	[tilespmem:s26+$0x0] =	vst v23  }
0x8e: {  	v21 =	vor.u32 $0x100, v2;
	v16 =	vld.idx.msk [tilespmem:v22+s17+$0x0], $0xffff;
	[tilespmem:s7+$0x0] =	vst v34  }
0x8f: {  	v22 =	vor.u32 $0x100, v1;
	v15 =	vld.idx.msk [tilespmem:v15+s17+$0x0], $0xffff;
	[tilespmem:s4+$0xC800] =	vst v28  }
0x90: {  	v23 =	vld.idx.msk [tilespmem:v6+s17+$0x0], $0xffff;
	[tilespmem:s1+$0xC800] =	vst v14;
	s1 =	sor.u32 $0x300, s13;
	v6 =	vmov v30  }
0x91: {  	v14 =	vld.idx.msk [tilespmem:v5+s17+$0x0], $0xffff;
	[tilespmem:s1+$0xC800] =	vst v18;
	v5 =	vmov v31  }
0x92: {  	v25 =	vor.u32 $0x300, v0;
	[tilespmem:s29+$0x80] =	vst v19;
	v27 =	vld.idx.msk [tilespmem:v20+s17+$0x0], $0xffff  }
0x93: {  	[tilespmem:s24+$0x80] =	vst v17;
	v19 =	vld.idx.msk [tilespmem:v21+s17+$0x0], $0xffff  }
.Ltmp2:
0x94: {  	v17 =	vld.idx.msk [tilespmem:v22+s17+$0x0], $0xffff;
	[tilespmem:s26+$0x80] =	vst v16;
	(pc) =	sbr.rel @p1 .LBB2_3-.Ltmp2, $4  }
0x95: {  	v22 =	vor.u32 $0x180, v2;
	v18 =	vld.idx.msk [tilespmem:v24+s17+$0x0], $0xffff;
	[tilespmem:s7+$0x80] =	vst v15  }
0x96: {  	v21 =	vor.u32 $0x180, v1;
	v20 =	vld.idx.msk [tilespmem:v26+s17+$0x0], $0xffff;
	[tilespmem:s5+$0xC800] =	vst v35  }
0x97: {  	s1 =	sor.u32 $0x380, s13;
	v15 =	vld.idx.msk [tilespmem:v25+s17+$0x0], $0xffff;
	[tilespmem:s14+$0xC800] =	vst v23  }
0x98: {  	s16 =	sadd.s32 $0x40, s16;
	v16 =	vld.idx.msk [tilespmem:v4+s17+$0x0], $0xffff;
	[tilespmem:s1+$0xC800] =	vst v27;
	v4 =	vmov v33  }
0x99: {  	_ =	sdelay $0x2  }
0x9a: {  	[tilespmem:s29+$0x100] =	vst v19  }
0x9b: {  	v19 =	vld.idx.msk [tilespmem:v22+s17+$0x0], $0xffff;
	[tilespmem:s26+$0x100] =	vst v18  }
0x9c: {  	v53 =	vor.u32 $0x200, v2;
	v13 =	vld.idx.msk [tilespmem:v13+s17+$0x0], $0xffff;
	_ =	sdelay $0x1  }
0x9d: {  	[tilespmem:s7+$0x100] =	vst v20  }
0x9e: {  	[tilespmem:s24+$0x100] =	vst v17;
	v12 =	vld.idx.msk [tilespmem:v12+s17+$0x0], $0xffff  }
0x9f: {  	p0 =	por !p0, !p0;
	s1 =	simm.s32 $0x1;
	v17 =	vld.idx.msk [tilespmem:v21+s17+$0x0], $0xffff;
	[tilespmem:s29+$0x180] =	vst v19  }
0xa0: {  	v54 =	vor.u32 $0x200, v1;
	s1 =	simm.s32 @!p0 $0x0;
	v18 =	vld.idx.msk [tilespmem:v53+s17+$0x0], $0xffff;
	[tilespmem:s26+$0x180] =	vst v13  }
0xa1: {  	v55 =	vor.u32 $0x280, v2;
	s1 =	sshll.u32 s1, $0x6;
	v11 =	vld.idx.msk [tilespmem:v11+s17+$0x0], $0xffff  }
0xa2: {  	s1 =	sadd.s32 s1, s3  }
0xa3: {  	s2 =	sadd.s32 $0x30, s1;
	[tilespmem:s7+$0x180] =	vst v12  }
0xa4: {  	s3 =	sadd.s32 $0x10, s1;
	s4 =	sor.u32 $0x200, s2;
	[tilespmem:s24+$0x180] =	vst v17;
	v9 =	vld.idx.msk [tilespmem:v9+s17+$0x0], $0xffff  }
0xa5: {  	s11 =	sor.u32 $0x200, s3;
	v56 =	vld.idx.msk [tilespmem:v54+s17+$0x0], $0xffff;
	[tilespmem:s4+$0xC800] =	vst v18  }
0xa6: {  	v57 =	vor.u32 $0x280, v1;
	v13 =	vld.idx.msk [tilespmem:v55+s17+$0x0], $0xffff;
	[tilespmem:s11+$0xC800] =	vst v11  }
0xa7: {  	v58 =	vor.u32 $0x300, v2;
	s5 =	sadd.s32 $0x20, s1;
	v8 =	vld.idx.msk [tilespmem:v8+s17+$0x0], $0xffff  }
0xa8: {  	[tilespmem:s30+$0xC800] =	vst v14;
	s12 =	sor.u32 $0x200, s5  }
0xa9: {  	s13 =	sor.u32 $0x200, s1;
	[tilespmem:s12+$0xC800] =	vst v9  }
0xaa: {  	v0 =	vor.u32 $0x380, v0;
	s14 =	sor.u32 $0x280, s2;
	[tilespmem:s13+$0xC800] =	vst v56;
	v7 =	vld.idx.msk [tilespmem:v7+s17+$0x0], $0xffff  }
0xab: {  	s15 =	sor.u32 $0x280, s3;
	v59 =	vld.idx.msk [tilespmem:v57+s17+$0x0], $0xffff;
	[tilespmem:s14+$0xC800] =	vst v13  }
0xac: {  	v60 =	vor.u32 $0x300, v1;
	v11 =	vld.idx.msk [tilespmem:v58+s17+$0x0], $0xffff;
	[tilespmem:s15+$0xC800] =	vst v8  }
0xad: {  	v61 =	vor.u32 $0x380, v2;
	[tilespmem:s23+$0xC800] =	vst v15;
	v6 =	vld.idx.msk [tilespmem:v6+s17+$0x0], $0xffff  }
0xae: {  	v3 =	vld.idx.msk [tilespmem:v3+s17+$0x0], $0xffff;
	[tilespmem:s22+$0xC800] =	vst v16;
	s16 =	sor.u32 $0x280, s5  }
0xaf: {  	s21 =	sor.u32 $0x280, s1;
	v0 =	vld.idx.msk [tilespmem:v0+s17+$0x0], $0xffff;
	[tilespmem:s16+$0xC800] =	vst v7  }
0xb0: {  	s22 =	sor.u32 $0x300, s2;
	[tilespmem:s21+$0xC800] =	vst v59;
	v5 =	vld.idx.msk [tilespmem:v5+s17+$0x0], $0xffff  }
0xb1: {  	s23 =	sor.u32 $0x300, s3;
	v62 =	vld.idx.msk [tilespmem:v60+s17+$0x0], $0xffff;
	[tilespmem:s22+$0xC800] =	vst v11  }
0xb2: {  	v63 =	vor.u32 $0x380, v1;
	v2 =	vld.idx.msk [tilespmem:v61+s17+$0x0], $0xffff;
	[tilespmem:s23+$0xC800] =	vst v6  }
0xb3: {  	[tilespmem:s9+$0xC800] =	vst v3;
	v4 =	vld.idx.msk [tilespmem:v4+s17+$0x0], $0xffff  }
0xb4: {  	s24 =	sor.u32 $0x300, s5;
	[tilespmem:s8+$0xC800] =	vst v0  }
0xb5: {  	s25 =	sor.u32 $0x300, s1;
	[tilespmem:s24+$0xC800] =	vst v5  }
0xb6: {  	s26 =	sor.u32 $0x380, s2;
	[tilespmem:s25+$0xC800] =	vst v62;
	v5 =	vld.idx.msk [tilespmem:v10+s17+$0x0], $0xffff  }
0xb7: {  	s3 =	sor.u32 $0x380, s3;
	v1 =	vld.idx.msk [tilespmem:v63+s17+$0x0], $0xffff;
	[tilespmem:s26+$0xC800] =	vst v2  }
0xb8: {  	p0 =	seq.s32 s31, $0x15;
	s2 =	smul.u32 $0xC000, s31;
	[tilespmem:s3+$0xC800] =	vst v4  }
.Ltmp3:
0xb9: {  	s3 =	rddreg [dreg:$0x4];
	(pc) =	sbr.rel @p0 .LBB2_10-.Ltmp3, $4  }
0xba: {  	s28 =	sor.u32 $0x380, s5;
	s3 =	sadd.s32 s2, s3  }
0xbb: {  	s1 =	sor.u32 $0x380, s1;
	s29 =	rddreg [dreg:$0x2];
	[tilespmem:s28+$0xC800] =	vst v5;
	s3 =	sshrl.u32 s3, $0x3  }
0xbc: {  	s30 =	simm.s32 $0xC800;
	[tilespmem:s1+$0xC800] =	vst v1;
	s1 =	sadd.s32 s29, s3  }
0xbd: {  	[hbm4b:s1+s6] =	stream.linear.scatter [tilespmem:s30], [sflag:$0x4], $0x4000, $0x38;
	[tilespmem:$0x18800] =	vst v63  }
0xbe: {  	s1 =	rddreg [dreg:$0x8]  }
0xbf: {  	s1 =	sadd.s32 s2, s1  }
0xc0: {  	s3 =	rddreg [dreg:$0x0];
	s21 =	sadd.s32 $0xFFFFFFFE, s0;
	s1 =	sshrl.u32 s1, $0x3  }
0xc1: {  	p0 =	sgt.u32 s21, $0x3C;
	s1 =	sadd.s32 s3, s1  }
0xc2: {  	[tilespmem:s17], [sflag:$0x1] =	stream.linear.gather [hbm4b:s1+s6], $0x4000, $0x38;
	[tilespmem:$0x18800] =	vst v63  }
0xc3: {  	s1 =	simm.s32 @!p0 $0x5  }
0xc4: {  	_ =	swait.ge @!p0 [sflag:s1], $0x4000  }
0xc5: {  	[sflag:s1] =	ssyncset.done @!p0 $0x0  }
0xc6: {  	s22 =	simm.s32 $0x0;
	s7 =	simm.s32 $0x2;
	[sflag:s1] =	ssyncadd.s32 @!p0 $0xFFFFC000  }
0xc7: {  	s23 =	sand.u32 $0x40, s22;
	_ =	swait.ge [sflag:s7], $0x4000  }
0xc8: {  	s4 =	sand.u32 $0x780, s22;
	s5 =	sor.u32 $0x30, s23;
	[sflag:s7] =	ssyncset.done $0x0  }
0xc9: {  	s24 =	sor.u32 s5, s4;
	[sflag:s7] =	ssyncadd.s32 $0xFFFFC000  }
0xca: {  	v0 =	vld [tilespmem:s24+$0x0]  }
0xcb: {  	s25 =	sor.u32 $0x10, s23;
	v1 =	vld [tilespmem:s22+$0x0]  }
0xcc: {  	s8 =	sor.u32 $0x20, s23;
	s9 =	sor.u32 s25, s4  }
0xcd: {  	s4 =	sor.u32 s8, s4;
	v2 =	vld [tilespmem:s9+$0x0]  }
0xce: {  	v3 =	vld [tilespmem:s4+$0x0]  }
0xcf: {  	v4 =	vshll.u32 v0, $0x3  }
0xd0: {  	v5 =	vshll.u32 v1, $0x3;
	v0 =	vand.u32 $0x7F, v0;
	v4 =	vand.u32 $0xFFFFFC00, v4  }
0xd1: {  	v1 =	vand.u32 $0x7F, v1;
	v6 =	vand.u32 $0xFFFFFC00, v5;
	v5 =	vor.u32 v0, v4  }
0xd2: {  	v0 =	vor.u32 v1, v6;
	v1 =	vshll.u32 v2, $0x3  }
0xd3: {  	v4 =	vshll.u32 v3, $0x3;
	v2 =	vand.u32 $0x7F, v2;
	v1 =	vand.u32 $0xFFFFFC00, v1  }
0xd4: {  	v6 =	vand.u32 $0xFFFFFC00, v4;
	v4 =	vor.u32 v2, v1;
	v1 =	vand.u32 $0x7F, v3  }
0xd5: {  	v3 =	vor.u32 v1, v6  }
0xd6: {  	v1 =	vld.idx.msk [tilespmem:v5+s18+$0x0], $0xffff  }
0xd7: {  	v6 =	vor.u32 $0x80, v5;
	v2 =	vld.idx.msk [tilespmem:v0+s18+$0x0], $0xffff  }
0xd8: {  	s1 =	sand.u32 $0x3C00, s22;
	v7 =	vor.u32 $0x80, v0  }
0xd9: {  	s1 =	sadd.s32 $0x10800, s1;
	v8 =	vld.idx.msk [tilespmem:v4+s18+$0x0], $0xffff  }
0xda: {  	s26 =	sor.u32 s5, s1;
	v9 =	vor.u32 $0x80, v4;
	v10 =	vld.idx.msk [tilespmem:v3+s18+$0x0], $0xffff  }
0xdb: {  	s28 =	sor.u32 s23, s1;
	v11 =	vor.u32 $0x80, v3;
	[tilespmem:s26+$0x0] =	vst v1  }
0xdc: {  	[tilespmem:s28+$0x0] =	vst v2;
	v1 =	vld.idx.msk [tilespmem:v6+s18+$0x0], $0xffff  }
0xdd: {  	s10 =	sor.u32 s25, s1;
	v2 =	vld.idx.msk [tilespmem:v7+s18+$0x0], $0xffff;
	v6 =	vor.u32 $0x100, v5  }
0xde: {  	s1 =	sor.u32 s8, s1;
	v7 =	vor.u32 $0x100, v0;
	[tilespmem:s10+$0x0] =	vst v8  }
0xdf: {  	v8 =	vld.idx.msk [tilespmem:v9+s18+$0x0], $0xffff;
	[tilespmem:s1+$0x0] =	vst v10  }
0xe0: {  	v9 =	vor.u32 $0x100, v4;
	v10 =	vld.idx.msk [tilespmem:v11+s18+$0x0], $0xffff  }
0xe1: {  	v11 =	vor.u32 $0x100, v3;
	[tilespmem:s26+$0x80] =	vst v1  }
0xe2: {  	[tilespmem:s28+$0x80] =	vst v2;
	v1 =	vld.idx.msk [tilespmem:v6+s18+$0x0], $0xffff  }
0xe3: {  	v2 =	vld.idx.msk [tilespmem:v7+s18+$0x0], $0xffff;
	v6 =	vor.u32 $0x180, v5  }
0xe4: {  	v7 =	vor.u32 $0x180, v0;
	[tilespmem:s10+$0x80] =	vst v8  }
0xe5: {  	v8 =	vld.idx.msk [tilespmem:v9+s18+$0x0], $0xffff;
	[tilespmem:s1+$0x80] =	vst v10  }
0xe6: {  	s3 =	simm.s32 $0x40;
	v9 =	vor.u32 $0x180, v4;
	v10 =	vld.idx.msk [tilespmem:v11+s18+$0x0], $0xffff  }
0xe7: {  	s7 =	sand.u32 $0x40, s3;
	v11 =	vld [tilespmem:s3+$0x0];
	[tilespmem:s26+$0x100] =	vst v1  }
0xe8: {  	s15 =	sand.u32 $0x780, s3;
	s12 =	sor.u32 $0x30, s7;
	[tilespmem:s28+$0x100] =	vst v2;
	v1 =	vld.idx.msk [tilespmem:v6+s18+$0x0], $0xffff  }
0xe9: {  	s11 =	sor.u32 s12, s15;
	v2 =	vor.u32 $0x180, v3;
	v6 =	vld.idx.msk [tilespmem:v7+s18+$0x0], $0xffff  }
0xea: {  	s16 =	sor.u32 $0x10, s7;
	v7 =	vor.u32 $0x200, v5;
	[tilespmem:s10+$0x100] =	vst v8;
	v8 =	vld [tilespmem:s11+$0x0]  }
0xeb: {  	s22 =	sor.u32 $0x20, s7;
	s13 =	sor.u32 s16, s15;
	v9 =	vld.idx.msk [tilespmem:v9+s18+$0x0], $0xffff  }
0xec: {  	s8 =	sor.u32 s22, s15;
	v13 =	vld [tilespmem:s13+$0x0];
	v12 =	vor.u32 $0x200, v4;
	v14 =	vshll.u32 v11, $0x3  }
0xed: {  	v15 =	vld [tilespmem:s8+$0x0];
	[tilespmem:s1+$0x100] =	vst v10;
	v10 =	vor.u32 $0x200, v0;
	v11 =	vand.u32 $0x7F, v11;
	v14 =	vand.u32 $0xFFFFFC00, v14  }
0xee: {  	p0 =	por $0x0, $0x0;
	s8 =	simm.s32 $0x1;
	v16 =	vld.idx.msk [tilespmem:v2+s18+$0x0], $0xffff;
	[tilespmem:s26+$0x180] =	vst v1;
	v1 =	vor.u32 v11, v14  }
0xef: {  	s8 =	simm.s32 @!p0 $0x0;
	v11 =	vor.u32 $0x200, v3;
	v7 =	vld.idx.msk [tilespmem:v7+s18+$0x0], $0xffff;
	v2 =	vshll.u32 v8, $0x3  }
0xf0: {  	s8 =	sshll.u32 s8, $0x6;
	v8 =	vand.u32 $0x7F, v8;
	[tilespmem:s10+$0x180] =	vst v9;
	v2 =	vand.u32 $0xFFFFFC00, v2;
	v9 =	vor.u32 $0x280, v5  }
0xf1: {  	s9 =	sadd.s32 $0x0, s8;
	v14 =	vor.u32 $0x280, v4;
	[tilespmem:s28+$0x180] =	vst v6;
	v6 =	vld.idx.msk [tilespmem:v12+s18+$0x0], $0xffff;
	v12 =	vshll.u32 v13, $0x3;
	v2 =	vor.u32 v8, v2  }
0xf2: {  	s5 =	sadd.s32 $0x30, s9;
	v8 =	vld.idx.msk [tilespmem:v10+s18+$0x0], $0xffff;
	v10 =	vshll.u32 v15, $0x3;
	v13 =	vand.u32 $0x7F, v13;
	v12 =	vand.u32 $0xFFFFFC00, v12  }
0xf3: {  	s23 =	sor.u32 $0x200, s5;
	v10 =	vand.u32 $0xFFFFFC00, v10;
	[tilespmem:s1+$0x180] =	vst v16;
	v17 =	vld.idx.msk [tilespmem:v1+s18+$0x0], $0xffff;
	v21 =	vor.u32 v13, v12;
	v12 =	vand.u32 $0x7F, v15  }
0xf4: {  	s10 =	sadd.s32 $0x10, s9;
	v11 =	vld.idx.msk [tilespmem:v11+s18+$0x0], $0xffff;
	v10 =	vor.u32 v12, v10;
	[tilespmem:s23+$0x10800] =	vst v7  }
0xf5: {  	s24 =	sor.u32 $0x200, s10;
	v7 =	vor.u32 $0x280, v0;
	v9 =	vld.idx.msk [tilespmem:v9+s18+$0x0], $0xffff  }
0xf6: {  	s8 =	simm.s32 $0x200;
	s25 =	sor.u32 $0x200, s9;
	v12 =	vor.u32 $0x280, v3;
	v13 =	vld.idx.msk [tilespmem:v2+s18+$0x0], $0xffff;
	[tilespmem:s24+$0x10800] =	vst v6  }
0xf7: {  	s13 =	sadd.s32 $0x20, s9;
	s26 =	sand.u32 $0x3C00, s8;
	[tilespmem:s25+$0x10800] =	vst v8;
	v8 =	vor.u32 $0x80, v1;
	v6 =	vld.idx.msk [tilespmem:v14+s18+$0x0], $0xffff  }
0xf8: {  	s14 =	sor.u32 $0x200, s13;
	s4 =	sadd.s32 $0x10800, s26;
	v14 =	vor.u32 $0x300, v5;
	v15 =	vld.idx.msk [tilespmem:v21+s18+$0x0], $0xffff  }
0xf9: {  	s30 =	sor.u32 s7, s4;
	v16 =	vor.u32 $0x80, v2;
	[tilespmem:s14+$0x10800] =	vst v11;
	v18 =	vld.idx.msk [tilespmem:v10+s18+$0x0], $0xffff  }
0xfa: {  	s28 =	sor.u32 $0x280, s5;
	v19 =	vor.u32 $0x80, v21;
	[tilespmem:s30+$0x0] =	vst v17;
	v7 =	vld.idx.msk [tilespmem:v7+s18+$0x0], $0xffff  }
0xfb: {  	s21 =	sor.u32 s12, s4;
	v11 =	vor.u32 $0x80, v10;
	v12 =	vld.idx.msk [tilespmem:v12+s18+$0x0], $0xffff;
	[tilespmem:s28+$0x10800] =	vst v9  }
0xfc: {  	s15 =	sor.u32 $0x280, s10;
	v9 =	vor.u32 $0x300, v4;
	[tilespmem:s21+$0x0] =	vst v13;
	v8 =	vld.idx.msk [tilespmem:v8+s18+$0x0], $0xffff  }
0xfd: {  	s29 =	sor.u32 s16, s4;
	v13 =	vld.idx.msk [tilespmem:v14+s18+$0x0], $0xffff;
	v14 =	vor.u32 $0x300, v3;
	[tilespmem:s15+$0x10800] =	vst v6  }
0xfe: {  	s16 =	sor.u32 s22, s4;
	v5 =	vor.u32 $0x380, v5;
	v16 =	vld.idx.msk [tilespmem:v16+s18+$0x0], $0xffff;
	[tilespmem:s29+$0x0] =	vst v15  }
0xff: {  	s22 =	sor.u32 $0x280, s13;
	v17 =	vor.u32 $0x100, v2;
	v15 =	vld.idx.msk [tilespmem:v19+s18+$0x0], $0xffff;
	[tilespmem:s16+$0x0] =	vst v18  }
0x100: {  	v18 =	vor.u32 $0x100, v1;
	[tilespmem:s22+$0x10800] =	vst v12;
	v20 =	vld.idx.msk [tilespmem:v11+s18+$0x0], $0xffff  }
0x101: {  	s23 =	sor.u32 $0x300, s5;
	v6 =	vor.u32 $0x100, v21;
	v22 =	vld.idx.msk [tilespmem:v9+s18+$0x0], $0xffff;
	[tilespmem:s30+$0x80] =	vst v8  }
0x102: {  	v23 =	vor.u32 $0x100, v10;
	v14 =	vld.idx.msk [tilespmem:v14+s18+$0x0], $0xffff;
	[tilespmem:s23+$0x10800] =	vst v13  }
0x103: {  	[tilespmem:s21+$0x80] =	vst v16;
	v16 =	vor.u32 $0x300, v0;
	v24 =	vld.idx.msk [tilespmem:v5+s18+$0x0], $0xffff  }
0x104: {  	v25 =	vor.u32 $0x380, v4;
	v19 =	vld.idx.msk [tilespmem:v17+s18+$0x0], $0xffff;
	[tilespmem:s29+$0x80] =	vst v15  }
0x105: {  	s25 =	sor.u32 $0x300, s10;
	v4 =	vor.u32 $0x380, v21;
	v17 =	vld.idx.msk [tilespmem:v18+s18+$0x0], $0xffff;
	[tilespmem:s16+$0x80] =	vst v20  }
0x106: {  	s24 =	sor.u32 $0x280, s9;
	v11 =	vor.u32 $0x200, v21;
	v8 =	vor.u32 $0x280, v21;
	v18 =	vld.idx.msk [tilespmem:v6+s18+$0x0], $0xffff;
	[tilespmem:s25+$0x10800] =	vst v22;
	v22 =	vor.u32 $0x180, v2  }
0x107: {  	s26 =	sor.u32 $0x300, s13;
	s7 =	simm.s32 $0x4;
	[tilespmem:s24+$0x10800] =	vst v7;
	v13 =	vor.u32 $0x180, v21;
	v6 =	vor.u32 $0x300, v21;
	v21 =	vor.u32 $0x180, v1;
	v20 =	vld.idx.msk [tilespmem:v23+s18+$0x0], $0xffff  }
0x108: {  	s28 =	sor.u32 $0x380, s5;
	v3 =	vor.u32 $0x380, v3;
	s15 =	sor.u32 $0x380, s13;
	v12 =	vor.u32 $0x180, v10;
	v7 =	vor.u32 $0x280, v10;
	s24 =	sor.u32 $0x300, s9;
	v15 =	vld.idx.msk [tilespmem:v16+s18+$0x0], $0xffff  }
0x109: {  	s9 =	sor.u32 $0x380, s9;
	s22 =	simm.s32 $0x80;
	v9 =	vor.u32 $0x200, v10;
	s23 =	sor.u32 $0x380, s10;
	v5 =	vor.u32 $0x300, v10;
	v10 =	vor.u32 $0x380, v10;
	v16 =	vld.idx.msk [tilespmem:v25+s18+$0x0], $0xffff;
	[tilespmem:s28+$0x10800] =	vst v24  }
.LBB2_6:
0x10a: {  	v23 =	vld [tilespmem:s22+$0x0];
	[tilespmem:s21+$0x100] =	vst v19;
	s3 =	sadd.s32 $0x40, s3  }
0x10b: {  	s7 =	sadd.s32 $0x4, s7;
	s10 =	sand.u32 $0x40, s3;
	[tilespmem:s30+$0x100] =	vst v17;
	v17 =	vld.idx.msk [tilespmem:v22+s18+$0x0], $0xffff  }
0x10c: {  	s1 =	sand.u32 $0x780, s3;
	p1 =	slt.u32 s7, $0x7C;
	s11 =	sor.u32 $0x30, s10;
	v19 =	vld.idx.msk [tilespmem:v21+s18+$0x0], $0xffff;
	[tilespmem:s29+$0x100] =	vst v18  }
0x10d: {  	s13 =	sor.u32 $0x10, s10;
	s12 =	sor.u32 $0x20, s10;
	v18 =	vor.u32 $0x200, v2;
	s4 =	sor.u32 s11, s1;
	v13 =	vld.idx.msk [tilespmem:v13+s18+$0x0], $0xffff;
	[tilespmem:s16+$0x100] =	vst v20  }
0x10e: {  	v21 =	vor.u32 $0x200, v1;
	s5 =	sor.u32 s13, s1;
	s1 =	sor.u32 s12, s1;
	v20 =	vld [tilespmem:s4+$0x0];
	[tilespmem:s26+$0x10800] =	vst v14  }
0x10f: {  	v14 =	vld [tilespmem:s5+$0x0];
	[tilespmem:s24+$0x10800] =	vst v15  }
0x110: {  	v15 =	vshll.u32 v23, $0x3;
	v22 =	vld [tilespmem:s1+$0x0];
	[tilespmem:s23+$0x10800] =	vst v16  }
0x111: {  	v16 =	vand.u32 $0x7F, v23;
	v15 =	vand.u32 $0xFFFFFC00, v15;
	v12 =	vld.idx.msk [tilespmem:v12+s18+$0x0], $0xffff;
	[tilespmem:s21+$0x180] =	vst v17;
	v17 =	vor.u32 $0x380, v0;
	v0 =	vmovc v1  }
0x112: {  	p0 =	por !p0, !p0;
	s1 =	simm.s32 $0x1;
	v1 =	vor.u32 v16, v15;
	[tilespmem:s30+$0x180] =	vst v19;
	v15 =	vld.idx.msk [tilespmem:v18+s18+$0x0], $0xffff  }
0x113: {  	s1 =	simm.s32 @!p0 $0x0;
	v16 =	vshll.u32 v20, $0x3;
	v18 =	vld.idx.msk [tilespmem:v21+s18+$0x0], $0xffff;
	[tilespmem:s29+$0x180] =	vst v13  }
0x114: {  	s1 =	sshll.u32 s1, $0x6;
	v13 =	vand.u32 $0x7F, v20;
	v16 =	vand.u32 $0xFFFFFC00, v16;
	v19 =	vld.idx.msk [tilespmem:v11+s18+$0x0], $0xffff;
	v11 =	vor.u32 $0x280, v2  }
0x115: {  	s21 =	sadd.s32 s1, s8;
	v20 =	vshll.u32 v14, $0x3;
	v21 =	vshll.u32 v22, $0x3;
	v16 =	vor.u32 v13, v16;
	v23 =	vld.idx.msk [tilespmem:v3+s18+$0x0], $0xffff;
	v3 =	vmovc v10  }
0x116: {  	s23 =	sadd.s32 $0x10, s21;
	s29 =	sadd.s32 $0x20, s21;
	s14 =	sadd.s32 $0x30, s21;
	v10 =	vand.u32 $0x7F, v14;
	v13 =	vand.u32 $0xFFFFFC00, v20;
	v14 =	vand.u32 $0xFFFFFC00, v21;
	v17 =	vld.idx.msk [tilespmem:v17+s18+$0x0], $0xffff  }
0x117: {  	s30 =	sor.u32 $0x200, s23;
	s1 =	sor.u32 $0x200, s14;
	v10 =	vor.u32 v10, v13;
	v13 =	vand.u32 $0x7F, v22;
	v21 =	vor.u32 $0x280, v0;
	v20 =	vld.idx.msk [tilespmem:v1+s18+$0x0], $0xffff;
	[tilespmem:s16+$0x180] =	vst v12;
	s16 =	sor.u32 $0x200, s29  }
0x118: {  	s5 =	sor.u32 $0x200, s21;
	s25 =	sor.u32 $0x280, s23;
	s4 =	sor.u32 $0x280, s29;
	v22 =	vor.u32 $0x80, v10;
	v24 =	vor.u32 $0x100, v10;
	v14 =	vor.u32 v13, v14;
	v25 =	vld.idx.msk [tilespmem:v9+s18+$0x0], $0xffff;
	[tilespmem:s1+$0x10800] =	vst v15  }
0x119: {  	s26 =	sor.u32 $0x300, s29;
	v13 =	vor.u32 $0x180, v10;
	v15 =	vor.u32 $0x80, v14;
	v26 =	vor.u32 $0x100, v14;
	s1 =	sor.u32 $0x280, s21;
	[tilespmem:s5+$0x10800] =	vst v18;
	s5 =	sor.u32 $0x300, s23;
	v18 =	vld.idx.msk [tilespmem:v11+s18+$0x0], $0xffff  }
0x11a: {  	s24 =	sor.u32 $0x300, s21;
	s29 =	sor.u32 $0x380, s29;
	v12 =	vor.u32 $0x180, v14;
	v9 =	vor.u32 $0x200, v14;
	v11 =	vor.u32 $0x200, v10;
	s23 =	sor.u32 $0x380, s23;
	v27 =	vld.idx.msk [tilespmem:v16+s18+$0x0], $0xffff;
	[tilespmem:s30+$0x10800] =	vst v19  }
0x11b: {  	v29 =	vor.u32 $0x300, v2;
	s21 =	sor.u32 $0x380, s21;
	v19 =	vor.u32 $0x280, v14;
	v28 =	vld.idx.msk [tilespmem:v8+s18+$0x0], $0xffff;
	v8 =	vor.u32 $0x280, v10;
	[tilespmem:s15+$0x10800] =	vst v23;
	s15 =	smov.u32 s29  }
0x11c: {  	s8 =	sadd.s32 $0x200, s8;
	v32 =	vor.u32 $0x80, v16;
	v30 =	vor.u32 $0x300, v10;
	v31 =	vor.u32 $0x300, v14;
	v23 =	vld.idx.msk [tilespmem:v10+s18+$0x0], $0xffff;
	[tilespmem:s9+$0x10800] =	vst v17;
	s9 =	smov.u32 s21  }
0x11d: {  	v33 =	vor.u32 $0x380, v10;
	s21 =	sand.u32 $0x3C00, s8;
	v17 =	vor.u32 $0x80, v1;
	v10 =	vor.u32 $0x380, v14;
	v34 =	vld.idx.msk [tilespmem:v14+s18+$0x0], $0xffff  }
0x11e: {  	s28 =	sadd.s32 $0x10800, s21;
	v35 =	vld.idx.msk [tilespmem:v21+s18+$0x0], $0xffff;
	[tilespmem:s16+$0x10800] =	vst v25;
	s16 =	sor.u32 $0x280, s14  }
0x11f: {  	s30 =	sor.u32 s10, s28;
	s29 =	sor.u32 s13, s28;
	s21 =	sor.u32 s11, s28;
	v14 =	vld.idx.msk [tilespmem:v7+s18+$0x0], $0xffff;
	[tilespmem:s16+$0x10800] =	vst v18;
	v7 =	vmov v19  }
0x120: {  	s16 =	sor.u32 s12, s28;
	[tilespmem:s21+$0x0] =	vst v27;
	v18 =	vld.idx.msk [tilespmem:v29+s18+$0x0], $0xffff  }
0x121: {  	[tilespmem:s30+$0x0] =	vst v20;
	v19 =	vld.idx.msk [tilespmem:v32+s18+$0x0], $0xffff  }
0x122: {  	v20 =	vor.u32 $0x380, v2;
	v2 =	vmov v16;
	v17 =	vld.idx.msk [tilespmem:v17+s18+$0x0], $0xffff;
	[tilespmem:s29+$0x0] =	vst v23  }
0x123: {  	v21 =	vor.u32 $0x100, v2;
	v16 =	vld.idx.msk [tilespmem:v22+s18+$0x0], $0xffff;
	[tilespmem:s16+$0x0] =	vst v34  }
0x124: {  	v22 =	vor.u32 $0x100, v1;
	v15 =	vld.idx.msk [tilespmem:v15+s18+$0x0], $0xffff;
	[tilespmem:s25+$0x10800] =	vst v28  }
0x125: {  	v23 =	vld.idx.msk [tilespmem:v6+s18+$0x0], $0xffff;
	[tilespmem:s4+$0x10800] =	vst v14;
	s4 =	sor.u32 $0x300, s14;
	v6 =	vmov v30  }
0x126: {  	v14 =	vld.idx.msk [tilespmem:v5+s18+$0x0], $0xffff;
	[tilespmem:s4+$0x10800] =	vst v18;
	v5 =	vmov v31  }
0x127: {  	v25 =	vor.u32 $0x300, v0;
	[tilespmem:s21+$0x80] =	vst v19;
	v27 =	vld.idx.msk [tilespmem:v20+s18+$0x0], $0xffff  }
0x128: {  	[tilespmem:s30+$0x80] =	vst v17;
	v19 =	vld.idx.msk [tilespmem:v21+s18+$0x0], $0xffff  }
.Ltmp4:
0x129: {  	v17 =	vld.idx.msk [tilespmem:v22+s18+$0x0], $0xffff;
	[tilespmem:s29+$0x80] =	vst v16;
	(pc) =	sbr.rel @p1 .LBB2_6-.Ltmp4, $4  }
0x12a: {  	v22 =	vor.u32 $0x180, v2;
	v18 =	vld.idx.msk [tilespmem:v24+s18+$0x0], $0xffff;
	[tilespmem:s16+$0x80] =	vst v15  }
0x12b: {  	v21 =	vor.u32 $0x180, v1;
	v20 =	vld.idx.msk [tilespmem:v26+s18+$0x0], $0xffff;
	[tilespmem:s1+$0x10800] =	vst v35  }
0x12c: {  	s1 =	sor.u32 $0x380, s14;
	v15 =	vld.idx.msk [tilespmem:v25+s18+$0x0], $0xffff;
	[tilespmem:s5+$0x10800] =	vst v23  }
0x12d: {  	s22 =	sadd.s32 $0x40, s22;
	v16 =	vld.idx.msk [tilespmem:v4+s18+$0x0], $0xffff;
	[tilespmem:s1+$0x10800] =	vst v27;
	v4 =	vmov v33  }
0x12e: {  	_ =	sdelay $0x2  }
0x12f: {  	[tilespmem:s21+$0x100] =	vst v19  }
0x130: {  	v19 =	vld.idx.msk [tilespmem:v22+s18+$0x0], $0xffff;
	[tilespmem:s29+$0x100] =	vst v18  }
0x131: {  	v18 =	vor.u32 $0x200, v2;
	v13 =	vld.idx.msk [tilespmem:v13+s18+$0x0], $0xffff;
	_ =	sdelay $0x1  }
0x132: {  	[tilespmem:s16+$0x100] =	vst v20  }
0x133: {  	[tilespmem:s30+$0x100] =	vst v17;
	v12 =	vld.idx.msk [tilespmem:v12+s18+$0x0], $0xffff  }
0x134: {  	p0 =	por !p0, !p0;
	s1 =	simm.s32 $0x1;
	v17 =	vld.idx.msk [tilespmem:v21+s18+$0x0], $0xffff;
	[tilespmem:s21+$0x180] =	vst v19  }
0x135: {  	s1 =	simm.s32 @!p0 $0x0;
	v20 =	vor.u32 $0x200, v1;
	v18 =	vld.idx.msk [tilespmem:v18+s18+$0x0], $0xffff;
	[tilespmem:s29+$0x180] =	vst v13  }
0x136: {  	s1 =	sshll.u32 s1, $0x6;
	v13 =	vor.u32 $0x280, v2;
	v11 =	vld.idx.msk [tilespmem:v11+s18+$0x0], $0xffff  }
0x137: {  	s1 =	sadd.s32 s1, s8  }
0x138: {  	s3 =	sadd.s32 $0x30, s1;
	[tilespmem:s16+$0x180] =	vst v12  }
0x139: {  	s4 =	sadd.s32 $0x10, s1;
	s5 =	sor.u32 $0x200, s3;
	[tilespmem:s30+$0x180] =	vst v17;
	v9 =	vld.idx.msk [tilespmem:v9+s18+$0x0], $0xffff  }
0x13a: {  	s11 =	sor.u32 $0x200, s4;
	v12 =	vld.idx.msk [tilespmem:v20+s18+$0x0], $0xffff;
	[tilespmem:s5+$0x10800] =	vst v18  }
0x13b: {  	v17 =	vor.u32 $0x280, v1;
	v13 =	vld.idx.msk [tilespmem:v13+s18+$0x0], $0xffff;
	[tilespmem:s11+$0x10800] =	vst v11  }
0x13c: {  	s7 =	sadd.s32 $0x20, s1;
	v11 =	vor.u32 $0x300, v2;
	v8 =	vld.idx.msk [tilespmem:v8+s18+$0x0], $0xffff  }
0x13d: {  	[tilespmem:s26+$0x10800] =	vst v14;
	s12 =	sor.u32 $0x200, s7  }
0x13e: {  	s13 =	sor.u32 $0x200, s1;
	[tilespmem:s12+$0x10800] =	vst v9  }
0x13f: {  	v0 =	vor.u32 $0x380, v0;
	s14 =	sor.u32 $0x280, s3;
	[tilespmem:s13+$0x10800] =	vst v12;
	v7 =	vld.idx.msk [tilespmem:v7+s18+$0x0], $0xffff  }
0x140: {  	s16 =	sor.u32 $0x280, s4;
	v9 =	vld.idx.msk [tilespmem:v17+s18+$0x0], $0xffff;
	[tilespmem:s14+$0x10800] =	vst v13  }
0x141: {  	v12 =	vor.u32 $0x300, v1;
	v11 =	vld.idx.msk [tilespmem:v11+s18+$0x0], $0xffff;
	[tilespmem:s16+$0x10800] =	vst v8  }
0x142: {  	[tilespmem:s24+$0x10800] =	vst v15;
	v2 =	vor.u32 $0x380, v2;
	v6 =	vld.idx.msk [tilespmem:v6+s18+$0x0], $0xffff  }
0x143: {  	v3 =	vld.idx.msk [tilespmem:v3+s18+$0x0], $0xffff;
	[tilespmem:s23+$0x10800] =	vst v16;
	s21 =	sor.u32 $0x280, s7  }
0x144: {  	s22 =	sor.u32 $0x280, s1;
	v0 =	vld.idx.msk [tilespmem:v0+s18+$0x0], $0xffff;
	[tilespmem:s21+$0x10800] =	vst v7  }
0x145: {  	s25 =	sor.u32 $0x300, s3;
	[tilespmem:s22+$0x10800] =	vst v9;
	v5 =	vld.idx.msk [tilespmem:v5+s18+$0x0], $0xffff  }
0x146: {  	s26 =	sor.u32 $0x300, s4;
	v7 =	vld.idx.msk [tilespmem:v12+s18+$0x0], $0xffff;
	[tilespmem:s25+$0x10800] =	vst v11  }
0x147: {  	v1 =	vor.u32 $0x380, v1;
	v2 =	vld.idx.msk [tilespmem:v2+s18+$0x0], $0xffff;
	[tilespmem:s26+$0x10800] =	vst v6  }
0x148: {  	[tilespmem:s15+$0x10800] =	vst v3;
	v4 =	vld.idx.msk [tilespmem:v4+s18+$0x0], $0xffff  }
0x149: {  	s28 =	sor.u32 $0x300, s7;
	[tilespmem:s9+$0x10800] =	vst v0  }
0x14a: {  	s30 =	sor.u32 $0x300, s1;
	[tilespmem:s28+$0x10800] =	vst v5  }
0x14b: {  	s3 =	sor.u32 $0x380, s3;
	[tilespmem:s30+$0x10800] =	vst v7;
	v5 =	vld.idx.msk [tilespmem:v10+s18+$0x0], $0xffff  }
0x14c: {  	s4 =	sor.u32 $0x380, s4;
	v1 =	vld.idx.msk [tilespmem:v1+s18+$0x0], $0xffff;
	[tilespmem:s3+$0x10800] =	vst v2  }
0x14d: {  	[tilespmem:s4+$0x10800] =	vst v4  }
0x14e: {  	s4 =	rddreg [dreg:$0x9]  }
0x14f: {  	s10 =	sor.u32 $0x380, s7;
	s4 =	sadd.s32 s2, s4  }
0x150: {  	s1 =	sor.u32 $0x380, s1;
	s12 =	rddreg [dreg:$0x2];
	[tilespmem:s10+$0x10800] =	vst v5;
	s11 =	sshrl.u32 s4, $0x3  }
0x151: {  	s13 =	simm.s32 $0x10800;
	[tilespmem:s1+$0x10800] =	vst v1;
	s1 =	sadd.s32 s12, s11  }
0x152: {  	[hbm4b:s1+s6] =	stream.linear.scatter [tilespmem:s13], [sflag:$0x5], $0x4000, $0x38;
	[tilespmem:$0x18800] =	vst v63  }
0x153: {  	s0 =	sadd.s32 $0xFFFFFFFF, s0;
	p0 =	sgt.u32 s31, $0x13;
	s1 =	rddreg [dreg:$0xa]  }
0x154: {  	p1 =	sgt.u32 s0, $0x3C;
	s1 =	sadd.s32 @!p0 s2, s1  }
0x155: {  	s0 =	simm.s32 @!p1 $0x6;
	s3 =	rddreg [dreg:$0x0];
	s1 =	sshrl.u32 @!p0 s1, $0x3  }
0x156: {  	s4 =	simm.s32 @!p0 $0x4800;
	s1 =	sadd.s32 @!p0 s3, s1;
	s3 =	simm.s32 @!p0 $0x0  }
0x157: {  	[tilespmem:s4], [sflag:$0x2] =	stream.linear.gather @!p0 [hbm4b:s1+s3], $0x4000, $0x38;
	[tilespmem:$0x18800] =	vst v63  }
0x158: {  	_ =	swait.ge @!p1 [sflag:s0], $0x4000  }
0x159: {  	[sflag:s0] =	ssyncset.done @!p1 $0x0  }
0x15a: {  	s15 =	simm.s32 $0x3;
	s14 =	simm.s32 $0x0;
	[sflag:s0] =	ssyncadd.s32 @!p1 $0xFFFFC000  }
0x15b: {  	s16 =	sand.u32 $0x40, s14;
	_ =	swait.ge [sflag:s15], $0x4000  }
0x15c: {  	s21 =	sand.u32 $0x780, s14;
	s22 =	sor.u32 $0x30, s16;
	[sflag:s15] =	ssyncset.done $0x0  }
0x15d: {  	s23 =	sor.u32 s22, s21;
	[sflag:s15] =	ssyncadd.s32 $0xFFFFC000  }
0x15e: {  	v0 =	vld [tilespmem:s23+$0x0]  }
0x15f: {  	s24 =	sor.u32 $0x10, s16;
	v1 =	vld [tilespmem:s14+$0x0]  }
0x160: {  	s25 =	sor.u32 $0x20, s16;
	s26 =	sor.u32 s24, s21  }
0x161: {  	s3 =	sor.u32 s25, s21;
	v2 =	vld [tilespmem:s26+$0x0]  }
0x162: {  	v3 =	vld [tilespmem:s3+$0x0]  }
0x163: {  	v4 =	vshll.u32 v0, $0x3  }
0x164: {  	v5 =	vshll.u32 v1, $0x3;
	v0 =	vand.u32 $0x7F, v0;
	v4 =	vand.u32 $0xFFFFFC00, v4  }
0x165: {  	v1 =	vand.u32 $0x7F, v1;
	v6 =	vand.u32 $0xFFFFFC00, v5;
	v5 =	vor.u32 v0, v4  }
0x166: {  	v0 =	vor.u32 v1, v6;
	v1 =	vshll.u32 v2, $0x3  }
0x167: {  	v4 =	vshll.u32 v3, $0x3;
	v2 =	vand.u32 $0x7F, v2;
	v1 =	vand.u32 $0xFFFFFC00, v1  }
0x168: {  	v6 =	vand.u32 $0xFFFFFC00, v4;
	v4 =	vor.u32 v2, v1;
	v1 =	vand.u32 $0x7F, v3  }
0x169: {  	v3 =	vor.u32 v1, v6  }
0x16a: {  	v1 =	vld.idx.msk [tilespmem:v5+s19+$0x0], $0xffff  }
0x16b: {  	v6 =	vor.u32 $0x80, v5;
	v2 =	vld.idx.msk [tilespmem:v0+s19+$0x0], $0xffff  }
0x16c: {  	s0 =	sand.u32 $0x3C00, s14;
	v7 =	vor.u32 $0x80, v0  }
0x16d: {  	s0 =	sadd.s32 $0x14800, s0;
	v8 =	vld.idx.msk [tilespmem:v4+s19+$0x0], $0xffff  }
0x16e: {  	s28 =	sor.u32 s22, s0;
	v9 =	vor.u32 $0x80, v4;
	v10 =	vld.idx.msk [tilespmem:v3+s19+$0x0], $0xffff  }
0x16f: {  	s30 =	sor.u32 s16, s0;
	v11 =	vor.u32 $0x80, v3;
	[tilespmem:s28+$0x0] =	vst v1  }
0x170: {  	[tilespmem:s30+$0x0] =	vst v2;
	v1 =	vld.idx.msk [tilespmem:v6+s19+$0x0], $0xffff  }
0x171: {  	s5 =	sor.u32 s24, s0;
	v2 =	vld.idx.msk [tilespmem:v7+s19+$0x0], $0xffff;
	v6 =	vor.u32 $0x100, v5  }
0x172: {  	s1 =	sor.u32 s25, s0;
	v7 =	vor.u32 $0x100, v0;
	[tilespmem:s5+$0x0] =	vst v8  }
0x173: {  	v8 =	vld.idx.msk [tilespmem:v9+s19+$0x0], $0xffff;
	[tilespmem:s1+$0x0] =	vst v10  }
0x174: {  	v9 =	vor.u32 $0x100, v4;
	v10 =	vld.idx.msk [tilespmem:v11+s19+$0x0], $0xffff  }
0x175: {  	v11 =	vor.u32 $0x100, v3;
	[tilespmem:s28+$0x80] =	vst v1  }
0x176: {  	[tilespmem:s30+$0x80] =	vst v2;
	v1 =	vld.idx.msk [tilespmem:v6+s19+$0x0], $0xffff  }
0x177: {  	v2 =	vld.idx.msk [tilespmem:v7+s19+$0x0], $0xffff;
	v6 =	vor.u32 $0x180, v5  }
0x178: {  	v7 =	vor.u32 $0x180, v0;
	[tilespmem:s5+$0x80] =	vst v8  }
0x179: {  	v8 =	vld.idx.msk [tilespmem:v9+s19+$0x0], $0xffff;
	[tilespmem:s1+$0x80] =	vst v10  }
0x17a: {  	s0 =	simm.s32 $0x40;
	v9 =	vor.u32 $0x180, v4;
	v10 =	vld.idx.msk [tilespmem:v11+s19+$0x0], $0xffff  }
0x17b: {  	s7 =	sand.u32 $0x40, s0;
	v11 =	vld [tilespmem:s0+$0x0];
	[tilespmem:s28+$0x100] =	vst v1  }
0x17c: {  	s22 =	sand.u32 $0x780, s0;
	s11 =	sor.u32 $0x30, s7;
	[tilespmem:s30+$0x100] =	vst v2;
	v1 =	vld.idx.msk [tilespmem:v6+s19+$0x0], $0xffff  }
0x17d: {  	s10 =	sor.u32 s11, s22;
	v2 =	vor.u32 $0x180, v3;
	v6 =	vld.idx.msk [tilespmem:v7+s19+$0x0], $0xffff  }
0x17e: {  	s23 =	sor.u32 $0x10, s7;
	v7 =	vor.u32 $0x200, v5;
	[tilespmem:s5+$0x100] =	vst v8;
	v8 =	vld [tilespmem:s10+$0x0]  }
0x17f: {  	s25 =	sor.u32 $0x20, s7;
	s12 =	sor.u32 s23, s22;
	v9 =	vld.idx.msk [tilespmem:v9+s19+$0x0], $0xffff  }
0x180: {  	s9 =	sor.u32 s25, s22;
	v13 =	vld [tilespmem:s12+$0x0];
	v12 =	vor.u32 $0x200, v4;
	v14 =	vshll.u32 v11, $0x3  }
0x181: {  	v15 =	vld [tilespmem:s9+$0x0];
	[tilespmem:s1+$0x100] =	vst v10;
	v10 =	vor.u32 $0x200, v0;
	v11 =	vand.u32 $0x7F, v11;
	v14 =	vand.u32 $0xFFFFFC00, v14  }
0x182: {  	s8 =	simm.s32 $0x1;
	p1 =	por $0x0, $0x0;
	v16 =	vld.idx.msk [tilespmem:v2+s19+$0x0], $0xffff;
	[tilespmem:s28+$0x180] =	vst v1;
	v1 =	vor.u32 v11, v14  }
0x183: {  	s8 =	simm.s32 @!p1 $0x0;
	v11 =	vor.u32 $0x200, v3;
	v7 =	vld.idx.msk [tilespmem:v7+s19+$0x0], $0xffff;
	v2 =	vshll.u32 v8, $0x3  }
0x184: {  	s26 =	sshll.u32 s8, $0x6;
	v8 =	vand.u32 $0x7F, v8;
	[tilespmem:s5+$0x180] =	vst v9;
	v2 =	vand.u32 $0xFFFFFC00, v2;
	v9 =	vor.u32 $0x280, v5  }
0x185: {  	s8 =	sadd.s32 $0x0, s26;
	v14 =	vor.u32 $0x280, v4;
	[tilespmem:s30+$0x180] =	vst v6;
	v6 =	vld.idx.msk [tilespmem:v12+s19+$0x0], $0xffff;
	v12 =	vshll.u32 v13, $0x3;
	v2 =	vor.u32 v8, v2  }
0x186: {  	s5 =	sadd.s32 $0x30, s8;
	v8 =	vld.idx.msk [tilespmem:v10+s19+$0x0], $0xffff;
	v10 =	vshll.u32 v15, $0x3;
	v13 =	vand.u32 $0x7F, v13;
	v12 =	vand.u32 $0xFFFFFC00, v12  }
0x187: {  	s28 =	sor.u32 $0x200, s5;
	v10 =	vand.u32 $0xFFFFFC00, v10;
	[tilespmem:s1+$0x180] =	vst v16;
	v17 =	vld.idx.msk [tilespmem:v1+s19+$0x0], $0xffff;
	v21 =	vor.u32 v13, v12;
	v12 =	vand.u32 $0x7F, v15  }
0x188: {  	s30 =	sadd.s32 $0x10, s8;
	v11 =	vld.idx.msk [tilespmem:v11+s19+$0x0], $0xffff;
	v10 =	vor.u32 v12, v10;
	[tilespmem:s28+$0x14800] =	vst v7  }
0x189: {  	s13 =	sor.u32 $0x200, s30;
	v7 =	vor.u32 $0x280, v0;
	v9 =	vld.idx.msk [tilespmem:v9+s19+$0x0], $0xffff  }
0x18a: {  	s3 =	simm.s32 $0x200;
	s14 =	sor.u32 $0x200, s8;
	v12 =	vor.u32 $0x280, v3;
	v13 =	vld.idx.msk [tilespmem:v2+s19+$0x0], $0xffff;
	[tilespmem:s13+$0x14800] =	vst v6  }
0x18b: {  	s15 =	sand.u32 $0x3C00, s3;
	s12 =	sadd.s32 $0x20, s8;
	[tilespmem:s14+$0x14800] =	vst v8;
	v8 =	vor.u32 $0x80, v1;
	v6 =	vld.idx.msk [tilespmem:v14+s19+$0x0], $0xffff  }
0x18c: {  	s4 =	sadd.s32 $0x14800, s15;
	s13 =	sor.u32 $0x200, s12;
	v14 =	vor.u32 $0x300, v5;
	v15 =	vld.idx.msk [tilespmem:v21+s19+$0x0], $0xffff  }
0x18d: {  	s24 =	sor.u32 s7, s4;
	v16 =	vor.u32 $0x80, v2;
	[tilespmem:s13+$0x14800] =	vst v11;
	v18 =	vld.idx.msk [tilespmem:v10+s19+$0x0], $0xffff  }
0x18e: {  	s16 =	sor.u32 $0x280, s5;
	v19 =	vor.u32 $0x80, v21;
	[tilespmem:s24+$0x0] =	vst v17;
	v7 =	vld.idx.msk [tilespmem:v7+s19+$0x0], $0xffff  }
0x18f: {  	s21 =	sor.u32 s11, s4;
	v11 =	vor.u32 $0x80, v10;
	v12 =	vld.idx.msk [tilespmem:v12+s19+$0x0], $0xffff;
	[tilespmem:s16+$0x14800] =	vst v9  }
0x190: {  	s22 =	sor.u32 $0x280, s30;
	v9 =	vor.u32 $0x300, v4;
	[tilespmem:s21+$0x0] =	vst v13;
	v8 =	vld.idx.msk [tilespmem:v8+s19+$0x0], $0xffff  }
0x191: {  	s29 =	sor.u32 s23, s4;
	v13 =	vld.idx.msk [tilespmem:v14+s19+$0x0], $0xffff;
	v14 =	vor.u32 $0x300, v3;
	[tilespmem:s22+$0x14800] =	vst v6  }
0x192: {  	s15 =	sor.u32 s25, s4;
	v5 =	vor.u32 $0x380, v5;
	v16 =	vld.idx.msk [tilespmem:v16+s19+$0x0], $0xffff;
	[tilespmem:s29+$0x0] =	vst v15  }
0x193: {  	s23 =	sor.u32 $0x280, s12;
	v17 =	vor.u32 $0x100, v2;
	v15 =	vld.idx.msk [tilespmem:v19+s19+$0x0], $0xffff;
	[tilespmem:s15+$0x0] =	vst v18  }
0x194: {  	v18 =	vor.u32 $0x100, v1;
	[tilespmem:s23+$0x14800] =	vst v12;
	v20 =	vld.idx.msk [tilespmem:v11+s19+$0x0], $0xffff  }
0x195: {  	s25 =	sor.u32 $0x300, s5;
	v6 =	vor.u32 $0x100, v21;
	v22 =	vld.idx.msk [tilespmem:v9+s19+$0x0], $0xffff;
	[tilespmem:s24+$0x80] =	vst v8  }
0x196: {  	v23 =	vor.u32 $0x100, v10;
	v14 =	vld.idx.msk [tilespmem:v14+s19+$0x0], $0xffff;
	[tilespmem:s25+$0x14800] =	vst v13  }
0x197: {  	[tilespmem:s21+$0x80] =	vst v16;
	v16 =	vor.u32 $0x300, v0;
	v24 =	vld.idx.msk [tilespmem:v5+s19+$0x0], $0xffff  }
0x198: {  	v25 =	vor.u32 $0x380, v4;
	v19 =	vld.idx.msk [tilespmem:v17+s19+$0x0], $0xffff;
	[tilespmem:s29+$0x80] =	vst v15  }
0x199: {  	s28 =	sor.u32 $0x300, s30;
	v4 =	vor.u32 $0x380, v21;
	v17 =	vld.idx.msk [tilespmem:v18+s19+$0x0], $0xffff;
	[tilespmem:s15+$0x80] =	vst v20  }
0x19a: {  	s26 =	sor.u32 $0x280, s8;
	v11 =	vor.u32 $0x200, v21;
	v8 =	vor.u32 $0x280, v21;
	v18 =	vld.idx.msk [tilespmem:v6+s19+$0x0], $0xffff;
	[tilespmem:s28+$0x14800] =	vst v22;
	v22 =	vor.u32 $0x180, v2  }
0x19b: {  	s7 =	simm.s32 $0x4;
	s9 =	sor.u32 $0x380, s12;
	[tilespmem:s26+$0x14800] =	vst v7;
	v13 =	vor.u32 $0x180, v21;
	v6 =	vor.u32 $0x300, v21;
	v21 =	vor.u32 $0x180, v1;
	v20 =	vld.idx.msk [tilespmem:v23+s19+$0x0], $0xffff  }
0x19c: {  	s16 =	simm.s32 $0x80;
	v3 =	vor.u32 $0x380, v3;
	s22 =	sor.u32 $0x380, s30;
	s30 =	sor.u32 $0x380, s5;
	v12 =	vor.u32 $0x180, v10;
	v7 =	vor.u32 $0x280, v10;
	v15 =	vld.idx.msk [tilespmem:v16+s19+$0x0], $0xffff  }
0x19d: {  	s26 =	sor.u32 $0x300, s12;
	s23 =	sor.u32 $0x300, s8;
	s8 =	sor.u32 $0x380, s8;
	v9 =	vor.u32 $0x200, v10;
	v5 =	vor.u32 $0x300, v10;
	v10 =	vor.u32 $0x380, v10;
	v16 =	vld.idx.msk [tilespmem:v25+s19+$0x0], $0xffff;
	[tilespmem:s30+$0x14800] =	vst v24  }
.LBB2_8:
0x19e: {  	v23 =	vld [tilespmem:s16+$0x0];
	[tilespmem:s21+$0x100] =	vst v19;
	s0 =	sadd.s32 $0x40, s0  }
0x19f: {  	s7 =	sadd.s32 $0x4, s7;
	s10 =	sand.u32 $0x40, s0;
	[tilespmem:s24+$0x100] =	vst v17;
	v17 =	vld.idx.msk [tilespmem:v22+s19+$0x0], $0xffff  }
0x1a0: {  	s1 =	sand.u32 $0x780, s0;
	p2 =	slt.u32 s7, $0x7C;
	s11 =	sor.u32 $0x30, s10;
	v19 =	vld.idx.msk [tilespmem:v21+s19+$0x0], $0xffff;
	[tilespmem:s29+$0x100] =	vst v18  }
0x1a1: {  	s13 =	sor.u32 $0x10, s10;
	s12 =	sor.u32 $0x20, s10;
	v18 =	vor.u32 $0x200, v2;
	s4 =	sor.u32 s11, s1;
	v13 =	vld.idx.msk [tilespmem:v13+s19+$0x0], $0xffff;
	[tilespmem:s15+$0x100] =	vst v20  }
0x1a2: {  	v21 =	vor.u32 $0x200, v1;
	s5 =	sor.u32 s13, s1;
	s1 =	sor.u32 s12, s1;
	v20 =	vld [tilespmem:s4+$0x0];
	[tilespmem:s26+$0x14800] =	vst v14  }
0x1a3: {  	v14 =	vld [tilespmem:s5+$0x0];
	[tilespmem:s23+$0x14800] =	vst v15  }
0x1a4: {  	v15 =	vshll.u32 v23, $0x3;
	v22 =	vld [tilespmem:s1+$0x0];
	[tilespmem:s22+$0x14800] =	vst v16  }
0x1a5: {  	v16 =	vand.u32 $0x7F, v23;
	v15 =	vand.u32 $0xFFFFFC00, v15;
	v12 =	vld.idx.msk [tilespmem:v12+s19+$0x0], $0xffff;
	[tilespmem:s21+$0x180] =	vst v17;
	v17 =	vor.u32 $0x380, v0;
	v0 =	vmovc v1  }
0x1a6: {  	p1 =	por !p1, !p1;
	s1 =	simm.s32 $0x1;
	v1 =	vor.u32 v16, v15;
	[tilespmem:s24+$0x180] =	vst v19;
	v15 =	vld.idx.msk [tilespmem:v18+s19+$0x0], $0xffff  }
0x1a7: {  	s1 =	simm.s32 @!p1 $0x0;
	v16 =	vshll.u32 v20, $0x3;
	v18 =	vld.idx.msk [tilespmem:v21+s19+$0x0], $0xffff;
	[tilespmem:s29+$0x180] =	vst v13  }
0x1a8: {  	s1 =	sshll.u32 s1, $0x6;
	v13 =	vand.u32 $0x7F, v20;
	v16 =	vand.u32 $0xFFFFFC00, v16;
	v19 =	vld.idx.msk [tilespmem:v11+s19+$0x0], $0xffff;
	v11 =	vor.u32 $0x280, v2  }
0x1a9: {  	s21 =	sadd.s32 s1, s3;
	v20 =	vshll.u32 v14, $0x3;
	v21 =	vshll.u32 v22, $0x3;
	v16 =	vor.u32 v13, v16;
	v23 =	vld.idx.msk [tilespmem:v3+s19+$0x0], $0xffff;
	v3 =	vmovc v10  }
0x1aa: {  	s22 =	sadd.s32 $0x10, s21;
	s24 =	sadd.s32 $0x20, s21;
	s14 =	sadd.s32 $0x30, s21;
	v10 =	vand.u32 $0x7F, v14;
	v13 =	vand.u32 $0xFFFFFC00, v20;
	v14 =	vand.u32 $0xFFFFFC00, v21;
	v17 =	vld.idx.msk [tilespmem:v17+s19+$0x0], $0xffff  }
0x1ab: {  	s28 =	sor.u32 $0x200, s22;
	s1 =	sor.u32 $0x200, s14;
	v10 =	vor.u32 v10, v13;
	v13 =	vand.u32 $0x7F, v22;
	v21 =	vor.u32 $0x280, v0;
	v20 =	vld.idx.msk [tilespmem:v1+s19+$0x0], $0xffff;
	[tilespmem:s15+$0x180] =	vst v12;
	s15 =	sor.u32 $0x200, s24  }
0x1ac: {  	s5 =	sor.u32 $0x200, s21;
	s25 =	sor.u32 $0x280, s22;
	s4 =	sor.u32 $0x280, s24;
	v22 =	vor.u32 $0x80, v10;
	v24 =	vor.u32 $0x100, v10;
	v14 =	vor.u32 v13, v14;
	v25 =	vld.idx.msk [tilespmem:v9+s19+$0x0], $0xffff;
	[tilespmem:s1+$0x14800] =	vst v15  }
0x1ad: {  	s26 =	sor.u32 $0x300, s24;
	v13 =	vor.u32 $0x180, v10;
	v15 =	vor.u32 $0x80, v14;
	v26 =	vor.u32 $0x100, v14;
	s1 =	sor.u32 $0x280, s21;
	[tilespmem:s5+$0x14800] =	vst v18;
	s5 =	sor.u32 $0x300, s22;
	v18 =	vld.idx.msk [tilespmem:v11+s19+$0x0], $0xffff  }
0x1ae: {  	s23 =	sor.u32 $0x300, s21;
	s24 =	sor.u32 $0x380, s24;
	v12 =	vor.u32 $0x180, v14;
	v9 =	vor.u32 $0x200, v14;
	v11 =	vor.u32 $0x200, v10;
	s22 =	sor.u32 $0x380, s22;
	v27 =	vld.idx.msk [tilespmem:v16+s19+$0x0], $0xffff;
	[tilespmem:s28+$0x14800] =	vst v19  }
0x1af: {  	v29 =	vor.u32 $0x300, v2;
	s21 =	sor.u32 $0x380, s21;
	v19 =	vor.u32 $0x280, v14;
	v28 =	vld.idx.msk [tilespmem:v8+s19+$0x0], $0xffff;
	v8 =	vor.u32 $0x280, v10;
	[tilespmem:s9+$0x14800] =	vst v23;
	s9 =	smov.u32 s24  }
0x1b0: {  	s3 =	sadd.s32 $0x200, s3;
	v32 =	vor.u32 $0x80, v16;
	v30 =	vor.u32 $0x300, v10;
	v31 =	vor.u32 $0x300, v14;
	v23 =	vld.idx.msk [tilespmem:v10+s19+$0x0], $0xffff;
	[tilespmem:s8+$0x14800] =	vst v17;
	s8 =	smov.u32 s21  }
0x1b1: {  	v33 =	vor.u32 $0x380, v10;
	s21 =	sand.u32 $0x3C00, s3;
	v17 =	vor.u32 $0x80, v1;
	v10 =	vor.u32 $0x380, v14;
	v34 =	vld.idx.msk [tilespmem:v14+s19+$0x0], $0xffff  }
0x1b2: {  	s28 =	sadd.s32 $0x14800, s21;
	v35 =	vld.idx.msk [tilespmem:v21+s19+$0x0], $0xffff;
	[tilespmem:s15+$0x14800] =	vst v25;
	s15 =	sor.u32 $0x280, s14  }
0x1b3: {  	s24 =	sor.u32 s10, s28;
	s29 =	sor.u32 s13, s28;
	s21 =	sor.u32 s11, s28;
	v14 =	vld.idx.msk [tilespmem:v7+s19+$0x0], $0xffff;
	[tilespmem:s15+$0x14800] =	vst v18;
	v7 =	vmov v19  }
0x1b4: {  	s15 =	sor.u32 s12, s28;
	[tilespmem:s21+$0x0] =	vst v27;
	v18 =	vld.idx.msk [tilespmem:v29+s19+$0x0], $0xffff  }
0x1b5: {  	[tilespmem:s24+$0x0] =	vst v20;
	v19 =	vld.idx.msk [tilespmem:v32+s19+$0x0], $0xffff  }
0x1b6: {  	v20 =	vor.u32 $0x380, v2;
	v2 =	vmov v16;
	v17 =	vld.idx.msk [tilespmem:v17+s19+$0x0], $0xffff;
	[tilespmem:s29+$0x0] =	vst v23  }
0x1b7: {  	v21 =	vor.u32 $0x100, v2;
	v16 =	vld.idx.msk [tilespmem:v22+s19+$0x0], $0xffff;
	[tilespmem:s15+$0x0] =	vst v34  }
0x1b8: {  	v22 =	vor.u32 $0x100, v1;
	v15 =	vld.idx.msk [tilespmem:v15+s19+$0x0], $0xffff;
	[tilespmem:s25+$0x14800] =	vst v28  }
0x1b9: {  	v23 =	vld.idx.msk [tilespmem:v6+s19+$0x0], $0xffff;
	[tilespmem:s4+$0x14800] =	vst v14;
	s4 =	sor.u32 $0x300, s14;
	v6 =	vmov v30  }
0x1ba: {  	v14 =	vld.idx.msk [tilespmem:v5+s19+$0x0], $0xffff;
	[tilespmem:s4+$0x14800] =	vst v18;
	v5 =	vmov v31  }
0x1bb: {  	v25 =	vor.u32 $0x300, v0;
	[tilespmem:s21+$0x80] =	vst v19;
	v27 =	vld.idx.msk [tilespmem:v20+s19+$0x0], $0xffff  }
0x1bc: {  	[tilespmem:s24+$0x80] =	vst v17;
	v19 =	vld.idx.msk [tilespmem:v21+s19+$0x0], $0xffff  }
.Ltmp5:
0x1bd: {  	v17 =	vld.idx.msk [tilespmem:v22+s19+$0x0], $0xffff;
	[tilespmem:s29+$0x80] =	vst v16;
	(pc) =	sbr.rel @p2 .LBB2_8-.Ltmp5, $4  }
0x1be: {  	v22 =	vor.u32 $0x180, v2;
	v18 =	vld.idx.msk [tilespmem:v24+s19+$0x0], $0xffff;
	[tilespmem:s15+$0x80] =	vst v15  }
0x1bf: {  	v21 =	vor.u32 $0x180, v1;
	v20 =	vld.idx.msk [tilespmem:v26+s19+$0x0], $0xffff;
	[tilespmem:s1+$0x14800] =	vst v35  }
0x1c0: {  	s1 =	sor.u32 $0x380, s14;
	v15 =	vld.idx.msk [tilespmem:v25+s19+$0x0], $0xffff;
	[tilespmem:s5+$0x14800] =	vst v23  }
0x1c1: {  	s16 =	sadd.s32 $0x40, s16;
	v16 =	vld.idx.msk [tilespmem:v4+s19+$0x0], $0xffff;
	[tilespmem:s1+$0x14800] =	vst v27;
	v4 =	vmov v33  }
0x1c2: {  	_ =	sdelay $0x2  }
0x1c3: {  	[tilespmem:s21+$0x100] =	vst v19  }
0x1c4: {  	v19 =	vld.idx.msk [tilespmem:v22+s19+$0x0], $0xffff;
	[tilespmem:s29+$0x100] =	vst v18  }
0x1c5: {  	v53 =	vor.u32 $0x200, v2;
	v13 =	vld.idx.msk [tilespmem:v13+s19+$0x0], $0xffff;
	_ =	sdelay $0x1  }
0x1c6: {  	[tilespmem:s15+$0x100] =	vst v20  }
0x1c7: {  	[tilespmem:s24+$0x100] =	vst v17;
	v12 =	vld.idx.msk [tilespmem:v12+s19+$0x0], $0xffff  }
0x1c8: {  	p1 =	por !p1, !p1;
	s0 =	simm.s32 $0x1;
	v17 =	vld.idx.msk [tilespmem:v21+s19+$0x0], $0xffff;
	[tilespmem:s21+$0x180] =	vst v19  }
0x1c9: {  	v54 =	vor.u32 $0x200, v1;
	s0 =	simm.s32 @!p1 $0x0;
	v18 =	vld.idx.msk [tilespmem:v53+s19+$0x0], $0xffff;
	[tilespmem:s29+$0x180] =	vst v13  }
0x1ca: {  	v55 =	vor.u32 $0x280, v2;
	s0 =	sshll.u32 s0, $0x6;
	v11 =	vld.idx.msk [tilespmem:v11+s19+$0x0], $0xffff  }
0x1cb: {  	s0 =	sadd.s32 s0, s3  }
0x1cc: {  	s1 =	sadd.s32 $0x30, s0;
	[tilespmem:s15+$0x180] =	vst v12  }
0x1cd: {  	s3 =	sadd.s32 $0x10, s0;
	s4 =	sor.u32 $0x200, s1;
	[tilespmem:s24+$0x180] =	vst v17;
	v9 =	vld.idx.msk [tilespmem:v9+s19+$0x0], $0xffff  }
0x1ce: {  	s7 =	sor.u32 $0x200, s3;
	v56 =	vld.idx.msk [tilespmem:v54+s19+$0x0], $0xffff;
	[tilespmem:s4+$0x14800] =	vst v18  }
0x1cf: {  	v57 =	vor.u32 $0x280, v1;
	v13 =	vld.idx.msk [tilespmem:v55+s19+$0x0], $0xffff;
	[tilespmem:s7+$0x14800] =	vst v11  }
0x1d0: {  	v58 =	vor.u32 $0x300, v2;
	s5 =	sadd.s32 $0x20, s0;
	v8 =	vld.idx.msk [tilespmem:v8+s19+$0x0], $0xffff  }
0x1d1: {  	[tilespmem:s26+$0x14800] =	vst v14;
	s12 =	sor.u32 $0x200, s5  }
0x1d2: {  	s13 =	sor.u32 $0x200, s0;
	[tilespmem:s12+$0x14800] =	vst v9  }
0x1d3: {  	v0 =	vor.u32 $0x380, v0;
	s14 =	sor.u32 $0x280, s1;
	[tilespmem:s13+$0x14800] =	vst v56;
	v7 =	vld.idx.msk [tilespmem:v7+s19+$0x0], $0xffff  }
0x1d4: {  	s15 =	sor.u32 $0x280, s3;
	v59 =	vld.idx.msk [tilespmem:v57+s19+$0x0], $0xffff;
	[tilespmem:s14+$0x14800] =	vst v13  }
0x1d5: {  	v60 =	vor.u32 $0x300, v1;
	v11 =	vld.idx.msk [tilespmem:v58+s19+$0x0], $0xffff;
	[tilespmem:s15+$0x14800] =	vst v8  }
0x1d6: {  	v61 =	vor.u32 $0x380, v2;
	[tilespmem:s23+$0x14800] =	vst v15;
	v6 =	vld.idx.msk [tilespmem:v6+s19+$0x0], $0xffff  }
0x1d7: {  	v3 =	vld.idx.msk [tilespmem:v3+s19+$0x0], $0xffff;
	[tilespmem:s22+$0x14800] =	vst v16;
	s16 =	sor.u32 $0x280, s5  }
0x1d8: {  	v0 =	vld.idx.msk [tilespmem:v0+s19+$0x0], $0xffff;
	s21 =	sor.u32 $0x280, s0;
	[tilespmem:s16+$0x14800] =	vst v7  }
0x1d9: {  	s22 =	sor.u32 $0x300, s1;
	[tilespmem:s21+$0x14800] =	vst v59;
	v5 =	vld.idx.msk [tilespmem:v5+s19+$0x0], $0xffff  }
0x1da: {  	s23 =	sor.u32 $0x300, s3;
	v62 =	vld.idx.msk [tilespmem:v60+s19+$0x0], $0xffff;
	[tilespmem:s22+$0x14800] =	vst v11  }
0x1db: {  	v63 =	vor.u32 $0x380, v1;
	v2 =	vld.idx.msk [tilespmem:v61+s19+$0x0], $0xffff;
	[tilespmem:s23+$0x14800] =	vst v6  }
0x1dc: {  	[tilespmem:s9+$0x14800] =	vst v3;
	v4 =	vld.idx.msk [tilespmem:v4+s19+$0x0], $0xffff  }
0x1dd: {  	s24 =	sor.u32 $0x300, s5;
	[tilespmem:s8+$0x14800] =	vst v0  }
0x1de: {  	s25 =	sor.u32 $0x300, s0;
	[tilespmem:s24+$0x14800] =	vst v5  }
0x1df: {  	s1 =	sor.u32 $0x380, s1;
	[tilespmem:s25+$0x14800] =	vst v62;
	v5 =	vld.idx.msk [tilespmem:v10+s19+$0x0], $0xffff  }
0x1e0: {  	s3 =	sor.u32 $0x380, s3;
	v1 =	vld.idx.msk [tilespmem:v63+s19+$0x0], $0xffff;
	[tilespmem:s1+$0x14800] =	vst v2  }
0x1e1: {  	[tilespmem:s3+$0x14800] =	vst v4  }
0x1e2: {  	s3 =	rddreg [dreg:$0xb]  }
0x1e3: {  	s26 =	sor.u32 $0x380, s5;
	s3 =	sadd.s32 s2, s3  }
0x1e4: {  	s0 =	sor.u32 $0x380, s0;
	s29 =	rddreg [dreg:$0x2];
	[tilespmem:s26+$0x14800] =	vst v5;
	s28 =	sshrl.u32 s3, $0x3  }
0x1e5: {  	s30 =	simm.s32 $0x14800;
	[tilespmem:s0+$0x14800] =	vst v1;
	s0 =	sadd.s32 s29, s28  }
0x1e6: {  	[hbm4b:s0+s6] =	stream.linear.scatter [tilespmem:s30], [sflag:$0x6], $0x4000, $0x38;
	[tilespmem:$0x18800] =	vst v63  }
0x1e7: {  	s0 =	rddreg [dreg:$0xc]  }
0x1e8: {  	s0 =	sadd.s32 @!p0 s2, s0  }
0x1e9: {  	s31 =	sadd.s32 $0x1, s31;
	s1 =	rddreg [dreg:$0x0];
	s0 =	sshrl.u32 @!p0 s0, $0x3  }
0x1ea: {  	s2 =	simm.s32 @!p0 $0x8800;
	s0 =	sadd.s32 @!p0 s1, s0;
	s1 =	simm.s32 @!p0 $0x0  }
0x1eb: {  	[tilespmem:s2], [sflag:$0x3] =	stream.linear.gather @!p0 [hbm4b:s0+s1], $0x4000, $0x38;
	[tilespmem:$0x18800] =	vst v63  }
0x1ec: {  	p0 =	sne.s32 s31, $0x16  }
.Ltmp6:
0x1ed: {  	_ = 	snop;
	(pc) =	sbr.rel @p0 .LBB2_2-.Ltmp6, $4  }
.Ltmp7:
0x1ee: {  	_ = 	snop;
	(pc) =	sbr.rel @!p0 .LBB2_10-.Ltmp7, $4  }
0x1ef: {  	_ = 	snop  }
0x1f0: {  	_ = 	snop  }
0x1f1: {  	_ = 	snop  }
0x1f2: {  	_ = 	snop  }
.LBB2_11:
0x1f3: {  	_ =	sfence.sel $0x180000  }
0x1f4: {  	[bflag:$0x0] =	sbarrier.arrive $0xFFFF  }
0x1f5: {  	_ =	strace $0x90000047  }
0x1f6: {  	s0 =	stileid.u32;
	[bflag:$0x2] =	sbarrier.arrive $0xFFFF  }
0x1f7: {  	p0 =	sne.s32 s0, $0x0;
	s0 =	rddreg [dreg:$0x3]  }
0x1f8: {  	s0 =	sadd.s32 @!p0 $0x100000, s0  }
0x1f9: {  	[sflag:s0] =	ssyncadd.tile.s32 @!p0 $0x1;
	_ =	shalt  }
.Lfunc_end2:
_tile_overlayer_lowered:
.L_overlay_start_2:
0x1fa: {  	(tag) =	ssettag $0x2  }
0x1fb: {  	s0 =	rddreg [dreg:$0x0];
	s2 =	stileid.u32  }
0x1fc: {  	s1 =	rddreg [dreg:$0x1];
	p0 =	sne.s32 s2, $0x0  }
0x1fd: {  	s3 =	rddreg [dreg:$0x2];
	[bflag:$0x3] =	sbarrier.arrive $0xFFFF;
	s2 =	simm.s32 @!p0 $0x1C07  }
0x1fe: {  	[timem:s3], [sflag:s2] =	dma.local @!p0 [hbm:s0], s1  }
0x1ff: {  	s0 =	simm.s32 @!p0 $0x7  }
0x200: {  	_ =	swait.ge @!p0 [sflag:s0], s1  }
0x201: {  	s1 =	ssub.s32 @!p0 $0x0, s1;
	[sflag:s0] =	ssyncset.done @!p0 $0x0  }
0x202: {  	[sflag:s0] =	ssyncadd.s32 @!p0 s1  }
0x203: {  	[bflag:$0x3] =	sbarrier.arrive $0xFFFF  }
0x204: {  	_ =	shalt  }

</sc_bundles>
